<compile_context>
chip_gen: v7x
topology: tpu7x:2x2x1
jax: 0.10.2.dev20260603
libtpu: 0.0.44.dev20260713+nightly
codegen_flags: <defaults>
</compile_context>

<pallas_src>
import functools

import jax
import jax.numpy as jnp
from jax import lax
from jax.experimental import pallas as pl
from jax.experimental.pallas import tpu as pltpu
from jax.experimental.pallas import tpu_sc as plsc

D_MODEL = 128


@jax.jit
def kernel(x, table):
    batch, seq = x.shape
    d = table.shape[1]

    info = plsc.get_sparse_core_info()
    n_workers = info.num_cores * info.num_subcores
    bw = batch // n_workers
    assert bw * n_workers == batch

    xt = x.astype(jnp.int32).T
    mesh = plsc.VectorSubcoreMesh(core_axis_name="c", subcore_axis_name="s")

    ng = 5
    assert seq % ng == 0

    @functools.partial(
        pl.kernel,
        mesh=mesh,
        out_type=jax.ShapeDtypeStruct((seq, batch, d), jnp.float32),
        scratch_types=[
            pltpu.VMEM((seq, bw), jnp.int32),
            pltpu.VMEM((ng, bw, D_MODEL), jnp.float32),
            [pltpu.SemaphoreType.DMA] * ng,
            [pltpu.SemaphoreType.DMA] * ng,
        ],
        compiler_params=pltpu.CompilerParams(use_tc_tiling_on_sc=True),
    )
    def gather_kernel(idx_hbm, table_hbm, out_hbm, idx_v, rows_v, gsems, osems):
        wid = lax.axis_index("s") * info.num_cores + lax.axis_index("c")
        base = wid * bw
        pltpu.sync_copy(idx_hbm.at[:, pl.ds(base, bw)], idx_v)

        def gather(t, g):
            return pltpu.make_async_copy(
                table_hbm.at[idx_v.at[t]], rows_v.at[g], gsems[g]
            )

        def out_copy(t, g):
            return pltpu.make_async_copy(
                rows_v.at[g], out_hbm.at[t, pl.ds(base, bw)], osems[g]
            )

        gather(0, 0).start()
        gather(1, 1).start()

        def body(t0, _):
            for k in range(ng):
                t = t0 + k
                g = (k + 2) % ng

                @pl.when((t + 2 < seq) & (t + 2 >= ng))
                def _():
                    out_copy(t + 2 - ng, g).wait()

                @pl.when(t + 2 < seq)
                def _():
                    gather(t + 2, g).start()

                gather(t, k).wait()
                out_copy(t, k).start()

            return ()

        lax.fori_loop(0, seq // ng, lambda i, c: body(i * ng, c), ())
        for k in range(ng):
            out_copy(seq - ng + k, k).wait()

    out = gather_kernel(xt, table)
    return out.transpose(1, 0, 2)

# --- scband reference (transcript-rebuilt; emitter-appended) ---
"""Pipeline reference for scband-embed-only-model-50577534878126 (READ-ONLY COPY).

The authoritative reference and input builder live on the scoring server;
editing this copy changes nothing except your own understanding.
"""

import jax, jax.numpy as jnp
import numpy as np

VOCAB = 100000
D_MODEL = 128

def setup_inputs(seed: int = 0) -> dict:
    key = jax.random.key(seed)
    k_idx, k_tab = jax.random.split(key)
    x = jax.random.randint(k_idx, (4096, 50), 0, VOCAB, dtype=jnp.int64 if jax.config.jax_enable_x64 else jnp.int32)
    # muP-style init: std = 1/sqrt(num_embeddings)
    table = jax.random.normal(k_tab, (VOCAB, D_MODEL), dtype=jnp.float32) * (1.0 / np.sqrt(VOCAB))
    return {"x": x, "table": table}

def reference(x, table):
    # nn.Embedding forward: gather rows of the table by index
    return jnp.take(table, x, axis=0)

if __name__ == "__main__":
    import jax
    _d = setup_inputs()
    print(jax.jit(kernel)(*tuple(_d.values())))

</pallas_src>

<mosaic_0001>
#map = affine_map<(d0, d1) -> (0, 0)>
#map1 = affine_map<(d0, d1) -> (0, 0, 0)>
module attributes {stable_mosaic.version = 14 : i64} {
  func.func @gather_kernel(%arg0: i32, %arg1: i32, %arg2: memref<50x4096xi32, #tpu.memory_space<hbm>>, %arg3: memref<100000x128xf32, #tpu.memory_space<hbm>>, %arg4: memref<50x4096x128xf32, #tpu.memory_space<hbm>>, %arg5: memref<50x128xi32, #tpu.memory_space<vmem>>, %arg6: memref<5x128x128xf32, #tpu.memory_space<vmem>>, %arg7: memref<!tpu.dma_semaphore, #tpu.memory_space<semaphore_mem>>, %arg8: memref<!tpu.dma_semaphore, #tpu.memory_space<semaphore_mem>>, %arg9: memref<!tpu.dma_semaphore, #tpu.memory_space<semaphore_mem>>, %arg10: memref<!tpu.dma_semaphore, #tpu.memory_space<semaphore_mem>>, %arg11: memref<!tpu.dma_semaphore, #tpu.memory_space<semaphore_mem>>, %arg12: memref<!tpu.dma_semaphore, #tpu.memory_space<semaphore_mem>>, %arg13: memref<!tpu.dma_semaphore, #tpu.memory_space<semaphore_mem>>, %arg14: memref<!tpu.dma_semaphore, #tpu.memory_space<semaphore_mem>>, %arg15: memref<!tpu.dma_semaphore, #tpu.memory_space<semaphore_mem>>, %arg16: memref<!tpu.dma_semaphore, #tpu.memory_space<semaphore_mem>>) attributes {dimension_semantics = [#tpu.dimension_semantics<core_parallel>, #tpu.dimension_semantics<subcore_parallel>], iteration_bounds = array<i64: 2, 16>, scalar_prefetch = 0 : i64, scratch_operands = 12 : i64, tpu.core_type = #tpu.core_type<sc_vector_subcore>, window_params = [{transform_indices = #map}, {transform_indices = #map}, {transform_indices = #map1}]} {
    %mul3A = arith.constant 2 : i32
    %mul3A_0 = arith.muli %arg1, %mul3A : i32
    %add3A = arith.addi %mul3A_0, %arg0 : i32
    %mul3A_1 = arith.constant 128 : i32
    %mul3A_2 = arith.muli %add3A, %mul3A_1 : i32
    "tpu.region"() ({
      %run_scoped3A = tpu.sem_alloc : memref<!tpu.dma_semaphore, #tpu.memory_space<semaphore_mem>>
      %dma_start3A_109 = arith.constant 0 : i32
      %dma_start3A_110 = tpu.memref_slice %arg2[%dma_start3A_109, %mul3A_2] : memref<50x4096xi32, #tpu.memory_space<hbm>> -> memref<50x128xi32, #tpu.memory_space<hbm>>
      %dma_start3A_111 = arith.constant 0 : i32
      %dma_start3A_112 = tpu.memref_slice %arg2[%dma_start3A_111, %mul3A_2] : memref<50x4096xi32, #tpu.memory_space<hbm>> -> memref<50x128xi32, #tpu.memory_space<hbm>>
      tpu.enqueue_dma source(%dma_start3A_112 : memref<50x128xi32, #tpu.memory_space<hbm>>) target(%arg5 : memref<50x128xi32, #tpu.memory_space<vmem>>) target_semaphore(%run_scoped3A : memref<!tpu.dma_semaphore, #tpu.memory_space<semaphore_mem>>)
      %dma_wait3A_113 = arith.constant 0 : i32
      %dma_wait3A_114 = tpu.memref_slice %arg2[%dma_wait3A_113, %mul3A_2] : memref<50x4096xi32, #tpu.memory_space<hbm>> -> memref<50x128xi32, #tpu.memory_space<hbm>>
      %dma_wait3A_115 = arith.constant 0 : i32
      %dma_wait3A_116 = tpu.memref_slice %arg2[%dma_wait3A_115, %mul3A_2] : memref<50x4096xi32, #tpu.memory_space<hbm>> -> memref<50x128xi32, #tpu.memory_space<hbm>>
      tpu.wait_dma2 semaphore(%run_scoped3A : memref<!tpu.dma_semaphore, #tpu.memory_space<semaphore_mem>>) src(%dma_wait3A_116 : memref<50x128xi32, #tpu.memory_space<hbm>>) dst(%arg5 : memref<50x128xi32, #tpu.memory_space<vmem>>)
      tpu.yield
    }) : () -> ()
    %dma_start3A = arith.constant 0 : i32
    %dma_start3A_3 = arith.constant 0 : i32
    %dma_start3A_4 = arith.constant 0 : i32
    %dma_start3A_5 = arith.constant 0 : i32
    %dma_start3A_6 = tpu.memref_slice %arg6[%dma_start3A_3, %dma_start3A_4, %dma_start3A_5] : memref<5x128x128xf32, #tpu.memory_space<vmem>> -> memref<1x128x128xf32, #tpu.memory_space<vmem>>
    %dma_start3A_7 = tpu.memref_squeeze %dma_start3A_6 : memref<1x128x128xf32, #tpu.memory_space<vmem>> -> memref<128x128xf32, #tpu.memory_space<vmem>>
    %dma_start3A_8 = arith.constant 0 : i32
    %dma_start3A_9 = tpu.memref_slice %arg5[%dma_start3A, %dma_start3A_8] : memref<50x128xi32, #tpu.memory_space<vmem>> -> memref<1x128xi32, #tpu.memory_space<vmem>>
    %dma_start3A_10 = tpu.memref_squeeze %dma_start3A_9 : memref<1x128xi32, #tpu.memory_space<vmem>> -> memref<128xi32, #tpu.memory_space<vmem>>
    %dma_start3A_11 = arith.constant 0 : i32
    %dma_start3A_12 = arith.constant 0 : i32
    %dma_start3A_13 = tpu.memref_slice %arg3[%dma_start3A_11, %dma_start3A_12] : memref<100000x128xf32, #tpu.memory_space<hbm>> -> memref<100000x128xf32, #tpu.memory_space<hbm>>
    tpu.enqueue_indirect_dma source(%dma_start3A_13 : memref<100000x128xf32, #tpu.memory_space<hbm>>) target(%dma_start3A_7 : memref<128x128xf32, #tpu.memory_space<vmem>>) offsets(%dma_start3A_10 : memref<128xi32, #tpu.memory_space<vmem>>) semaphore(%arg7 : memref<!tpu.dma_semaphore, #tpu.memory_space<semaphore_mem>>)
    %dma_start3A_14 = arith.constant 1 : i32
    %dma_start3A_15 = arith.constant 1 : i32
    %dma_start3A_16 = arith.constant 0 : i32
    %dma_start3A_17 = arith.constant 0 : i32
    %dma_start3A_18 = tpu.memref_slice %arg6[%dma_start3A_15, %dma_start3A_16, %dma_start3A_17] : memref<5x128x128xf32, #tpu.memory_space<vmem>> -> memref<1x128x128xf32, #tpu.memory_space<vmem>>
    %dma_start3A_19 = tpu.memref_squeeze %dma_start3A_18 : memref<1x128x128xf32, #tpu.memory_space<vmem>> -> memref<128x128xf32, #tpu.memory_space<vmem>>
    %dma_start3A_20 = arith.constant 0 : i32
    %dma_start3A_21 = tpu.memref_slice %arg5[%dma_start3A_14, %dma_start3A_20] : memref<50x128xi32, #tpu.memory_space<vmem>> -> memref<1x128xi32, #tpu.memory_space<vmem>>
    %dma_start3A_22 = tpu.memref_squeeze %dma_start3A_21 : memref<1x128xi32, #tpu.memory_space<vmem>> -> memref<128xi32, #tpu.memory_space<vmem>>
    %dma_start3A_23 = arith.constant 0 : i32
    %dma_start3A_24 = arith.constant 0 : i32
    %dma_start3A_25 = tpu.memref_slice %arg3[%dma_start3A_23, %dma_start3A_24] : memref<100000x128xf32, #tpu.memory_space<hbm>> -> memref<100000x128xf32, #tpu.memory_space<hbm>>
    tpu.enqueue_indirect_dma source(%dma_start3A_25 : memref<100000x128xf32, #tpu.memory_space<hbm>>) target(%dma_start3A_19 : memref<128x128xf32, #tpu.memory_space<vmem>>) offsets(%dma_start3A_22 : memref<128xi32, #tpu.memory_space<vmem>>) semaphore(%arg8 : memref<!tpu.dma_semaphore, #tpu.memory_space<semaphore_mem>>)
    %scan3A = arith.constant 0 : i32
    %scan3A_26 = arith.constant 10 : i32
    %scan3A_27 = arith.addi %scan3A, %scan3A_26 : i32
    %scan3A_28 = arith.constant 1 : i32
    scf.for %scan3A_109 = %scan3A to %scan3A_27 step %scan3A_28  : i32 {
      %mul3A_110 = arith.constant 5 : i32
      %mul3A_111 = arith.muli %scan3A_109, %mul3A_110 : i32
      %add3A_112 = arith.constant 0 : i32
      %add3A_113 = arith.addi %mul3A_111, %add3A_112 : i32
      %add3A_114 = arith.constant 2 : i32
      %add3A_115 = arith.addi %add3A_113, %add3A_114 : i32
      %lt3A = arith.constant 50 : i32
      %lt3A_116 = arith.cmpi slt, %add3A_115, %lt3A : i32
      %add3A_117 = arith.constant 2 : i32
      %add3A_118 = arith.addi %add3A_113, %add3A_117 : i32
      %ge3A = arith.constant 5 : i32
      %ge3A_119 = arith.cmpi sge, %add3A_118, %ge3A : i32
      %and3A = arith.andi %lt3A_116, %ge3A_119 : i1
      %convert_element_type3A = arith.extui %and3A : i1 to i32
      %cond3A = arith.constant 0 : i32
      %cond3A_120 = arith.cmpi ne, %convert_element_type3A, %cond3A : i32
      scf.if %cond3A_120 {
        %add3A_342 = arith.constant 2 : i32
        %add3A_343 = arith.addi %add3A_113, %add3A_342 : i32
        %sub3A = arith.constant 5 : i32
        %sub3A_344 = arith.subi %add3A_343, %sub3A : i32
        %dma_wait3A_345 = arith.constant 2 : i32
        %dma_wait3A_346 = arith.constant 0 : i32
        %dma_wait3A_347 = arith.constant 0 : i32
        %dma_wait3A_348 = tpu.memref_slice %arg6[%dma_wait3A_345, %dma_wait3A_346, %dma_wait3A_347] : memref<5x128x128xf32, #tpu.memory_space<vmem>> -> memref<1x128x128xf32, #tpu.memory_space<vmem>>
        %dma_wait3A_349 = tpu.memref_squeeze %dma_wait3A_348 : memref<1x128x128xf32, #tpu.memory_space<vmem>> -> memref<128x128xf32, #tpu.memory_space<vmem>>
        %dma_wait3A_350 = arith.constant 0 : i32
        %dma_wait3A_351 = tpu.memref_slice %arg4[%sub3A_344, %mul3A_2, %dma_wait3A_350] : memref<50x4096x128xf32, #tpu.memory_space<hbm>> -> memref<1x128x128xf32, #tpu.memory_space<hbm>>
        %dma_wait3A_352 = tpu.memref_squeeze %dma_wait3A_351 : memref<1x128x128xf32, #tpu.memory_space<hbm>> -> memref<128x128xf32, #tpu.memory_space<hbm>>
        %dma_wait3A_353 = arith.constant 0 : i32
        %dma_wait3A_354 = tpu.memref_slice %arg4[%sub3A_344, %mul3A_2, %dma_wait3A_353] : memref<50x4096x128xf32, #tpu.memory_space<hbm>> -> memref<1x128x128xf32, #tpu.memory_space<hbm>>
        %dma_wait3A_355 = tpu.memref_squeeze %dma_wait3A_354 : memref<1x128x128xf32, #tpu.memory_space<hbm>> -> memref<128x128xf32, #tpu.memory_space<hbm>>
        %dma_wait3A_356 = arith.constant 0 : i32
        %dma_wait3A_357 = arith.constant 0 : i32
        %dma_wait3A_358 = tpu.memref_slice %arg6[%dma_wait3A_345, %dma_wait3A_356, %dma_wait3A_357] : memref<5x128x128xf32, #tpu.memory_space<vmem>> -> memref<1x128x128xf32, #tpu.memory_space<vmem>>
        %dma_wait3A_359 = tpu.memref_squeeze %dma_wait3A_358 : memref<1x128x128xf32, #tpu.memory_space<vmem>> -> memref<128x128xf32, #tpu.memory_space<vmem>>
        tpu.wait_dma2 semaphore(%arg14 : memref<!tpu.dma_semaphore, #tpu.memory_space<semaphore_mem>>) src(%dma_wait3A_359 : memref<128x128xf32, #tpu.memory_space<vmem>>) dst(%dma_wait3A_355 : memref<128x128xf32, #tpu.memory_space<hbm>>)
      } else {
      }
      %add3A_121 = arith.constant 2 : i32
      %add3A_122 = arith.addi %add3A_113, %add3A_121 : i32
      %lt3A_123 = arith.constant 50 : i32
      %lt3A_124 = arith.cmpi slt, %add3A_122, %lt3A_123 : i32
      %convert_element_type3A_125 = arith.extui %lt3A_124 : i1 to i32
      %cond3A_126 = arith.constant 0 : i32
      %cond3A_127 = arith.cmpi ne, %convert_element_type3A_125, %cond3A_126 : i32
      scf.if %cond3A_127 {
        %add3A_342 = arith.constant 2 : i32
        %add3A_343 = arith.addi %add3A_113, %add3A_342 : i32
        %dma_start3A_344 = arith.constant 2 : i32
        %dma_start3A_345 = arith.constant 0 : i32
        %dma_start3A_346 = arith.constant 0 : i32
        %dma_start3A_347 = tpu.memref_slice %arg6[%dma_start3A_344, %dma_start3A_345, %dma_start3A_346] : memref<5x128x128xf32, #tpu.memory_space<vmem>> -> memref<1x128x128xf32, #tpu.memory_space<vmem>>
        %dma_start3A_348 = tpu.memref_squeeze %dma_start3A_347 : memref<1x128x128xf32, #tpu.memory_space<vmem>> -> memref<128x128xf32, #tpu.memory_space<vmem>>
        %dma_start3A_349 = arith.constant 0 : i32
        %dma_start3A_350 = tpu.memref_slice %arg5[%add3A_343, %dma_start3A_349] : memref<50x128xi32, #tpu.memory_space<vmem>> -> memref<1x128xi32, #tpu.memory_space<vmem>>
        %dma_start3A_351 = tpu.memref_squeeze %dma_start3A_350 : memref<1x128xi32, #tpu.memory_space<vmem>> -> memref<128xi32, #tpu.memory_space<vmem>>
        %dma_start3A_352 = arith.constant 0 : i32
        %dma_start3A_353 = arith.constant 0 : i32
        %dma_start3A_354 = tpu.memref_slice %arg3[%dma_start3A_352, %dma_start3A_353] : memref<100000x128xf32, #tpu.memory_space<hbm>> -> memref<100000x128xf32, #tpu.memory_space<hbm>>
        tpu.enqueue_indirect_dma source(%dma_start3A_354 : memref<100000x128xf32, #tpu.memory_space<hbm>>) target(%dma_start3A_348 : memref<128x128xf32, #tpu.memory_space<vmem>>) offsets(%dma_start3A_351 : memref<128xi32, #tpu.memory_space<vmem>>) semaphore(%arg9 : memref<!tpu.dma_semaphore, #tpu.memory_space<semaphore_mem>>)
      } else {
      }
      %dma_wait3A_128 = arith.constant 0 : i32
      %dma_wait3A_129 = arith.constant 0 : i32
      %dma_wait3A_130 = arith.constant 0 : i32
      %dma_wait3A_131 = tpu.memref_slice %arg6[%dma_wait3A_128, %dma_wait3A_129, %dma_wait3A_130] : memref<5x128x128xf32, #tpu.memory_space<vmem>> -> memref<1x128x128xf32, #tpu.memory_space<vmem>>
      %dma_wait3A_132 = tpu.memref_squeeze %dma_wait3A_131 : memref<1x128x128xf32, #tpu.memory_space<vmem>> -> memref<128x128xf32, #tpu.memory_space<vmem>>
      %dma_wait3A_133 = arith.constant 0 : i32
      %dma_wait3A_134 = tpu.memref_slice %arg5[%add3A_113, %dma_wait3A_133] : memref<50x128xi32, #tpu.memory_space<vmem>> -> memref<1x128xi32, #tpu.memory_space<vmem>>
      %dma_wait3A_135 = tpu.memref_squeeze %dma_wait3A_134 : memref<1x128xi32, #tpu.memory_space<vmem>> -> memref<128xi32, #tpu.memory_space<vmem>>
      %dma_wait3A_136 = arith.constant 0 : i32
      %dma_wait3A_137 = arith.constant 0 : i32
      %dma_wait3A_138 = tpu.memref_slice %arg3[%dma_wait3A_136, %dma_wait3A_137] : memref<100000x128xf32, #tpu.memory_space<hbm>> -> memref<100000x128xf32, #tpu.memory_space<hbm>>
      tpu.wait_indirect_dma semaphore(%arg7 : memref<!tpu.dma_semaphore, #tpu.memory_space<semaphore_mem>>) src(%dma_wait3A_138 : memref<100000x128xf32, #tpu.memory_space<hbm>>) dst(%dma_wait3A_132 : memref<128x128xf32, #tpu.memory_space<vmem>>)
      %dma_start3A_139 = arith.constant 0 : i32
      %dma_start3A_140 = arith.constant 0 : i32
      %dma_start3A_141 = arith.constant 0 : i32
      %dma_start3A_142 = tpu.memref_slice %arg6[%dma_start3A_139, %dma_start3A_140, %dma_start3A_141] : memref<5x128x128xf32, #tpu.memory_space<vmem>> -> memref<1x128x128xf32, #tpu.memory_space<vmem>>
      %dma_start3A_143 = tpu.memref_squeeze %dma_start3A_142 : memref<1x128x128xf32, #tpu.memory_space<vmem>> -> memref<128x128xf32, #tpu.memory_space<vmem>>
      %dma_start3A_144 = arith.constant 0 : i32
      %dma_start3A_145 = tpu.memref_slice %arg4[%add3A_113, %mul3A_2, %dma_start3A_144] : memref<50x4096x128xf32, #tpu.memory_space<hbm>> -> memref<1x128x128xf32, #tpu.memory_space<hbm>>
      %dma_start3A_146 = tpu.memref_squeeze %dma_start3A_145 : memref<1x128x128xf32, #tpu.memory_space<hbm>> -> memref<128x128xf32, #tpu.memory_space<hbm>>
      %dma_start3A_147 = arith.constant 0 : i32
      %dma_start3A_148 = tpu.memref_slice %arg4[%add3A_113, %mul3A_2, %dma_start3A_147] : memref<50x4096x128xf32, #tpu.memory_space<hbm>> -> memref<1x128x128xf32, #tpu.memory_space<hbm>>
      %dma_start3A_149 = tpu.memref_squeeze %dma_start3A_148 : memref<1x128x128xf32, #tpu.memory_space<hbm>> -> memref<128x128xf32, #tpu.memory_space<hbm>>
      %dma_start3A_150 = arith.constant 0 : i32
      %dma_start3A_151 = arith.constant 0 : i32
      %dma_start3A_152 = tpu.memref_slice %arg6[%dma_start3A_139, %dma_start3A_150, %dma_start3A_151] : memref<5x128x128xf32, #tpu.memory_space<vmem>> -> memref<1x128x128xf32, #tpu.memory_space<vmem>>
      %dma_start3A_153 = tpu.memref_squeeze %dma_start3A_152 : memref<1x128x128xf32, #tpu.memory_space<vmem>> -> memref<128x128xf32, #tpu.memory_space<vmem>>
      tpu.enqueue_dma source(%dma_start3A_153 : memref<128x128xf32, #tpu.memory_space<vmem>>) target(%dma_start3A_149 : memref<128x128xf32, #tpu.memory_space<hbm>>) target_semaphore(%arg12 : memref<!tpu.dma_semaphore, #tpu.memory_space<semaphore_mem>>)
      %add3A_154 = arith.constant 1 : i32
      %add3A_155 = arith.addi %mul3A_111, %add3A_154 : i32
      %add3A_156 = arith.constant 2 : i32
      %add3A_157 = arith.addi %add3A_155, %add3A_156 : i32
      %lt3A_158 = arith.constant 50 : i32
      %lt3A_159 = arith.cmpi slt, %add3A_157, %lt3A_158 : i32
      %add3A_160 = arith.constant 2 : i32
      %add3A_161 = arith.addi %add3A_155, %add3A_160 : i32
      %ge3A_162 = arith.constant 5 : i32
      %ge3A_163 = arith.cmpi sge, %add3A_161, %ge3A_162 : i32
      %and3A_164 = arith.andi %lt3A_159, %ge3A_163 : i1
      %convert_element_type3A_165 = arith.extui %and3A_164 : i1 to i32
      %cond3A_166 = arith.constant 0 : i32
      %cond3A_167 = arith.cmpi ne, %convert_element_type3A_165, %cond3A_166 : i32
      scf.if %cond3A_167 {
        %add3A_342 = arith.constant 2 : i32
        %add3A_343 = arith.addi %add3A_155, %add3A_342 : i32
        %sub3A = arith.constant 5 : i32
        %sub3A_344 = arith.subi %add3A_343, %sub3A : i32
        %dma_wait3A_345 = arith.constant 3 : i32
        %dma_wait3A_346 = arith.constant 0 : i32
        %dma_wait3A_347 = arith.constant 0 : i32
        %dma_wait3A_348 = tpu.memref_slice %arg6[%dma_wait3A_345, %dma_wait3A_346, %dma_wait3A_347] : memref<5x128x128xf32, #tpu.memory_space<vmem>> -> memref<1x128x128xf32, #tpu.memory_space<vmem>>
        %dma_wait3A_349 = tpu.memref_squeeze %dma_wait3A_348 : memref<1x128x128xf32, #tpu.memory_space<vmem>> -> memref<128x128xf32, #tpu.memory_space<vmem>>
        %dma_wait3A_350 = arith.constant 0 : i32
        %dma_wait3A_351 = tpu.memref_slice %arg4[%sub3A_344, %mul3A_2, %dma_wait3A_350] : memref<50x4096x128xf32, #tpu.memory_space<hbm>> -> memref<1x128x128xf32, #tpu.memory_space<hbm>>
        %dma_wait3A_352 = tpu.memref_squeeze %dma_wait3A_351 : memref<1x128x128xf32, #tpu.memory_space<hbm>> -> memref<128x128xf32, #tpu.memory_space<hbm>>
        %dma_wait3A_353 = arith.constant 0 : i32
        %dma_wait3A_354 = tpu.memref_slice %arg4[%sub3A_344, %mul3A_2, %dma_wait3A_353] : memref<50x4096x128xf32, #tpu.memory_space<hbm>> -> memref<1x128x128xf32, #tpu.memory_space<hbm>>
        %dma_wait3A_355 = tpu.memref_squeeze %dma_wait3A_354 : memref<1x128x128xf32, #tpu.memory_space<hbm>> -> memref<128x128xf32, #tpu.memory_space<hbm>>
        %dma_wait3A_356 = arith.constant 0 : i32
        %dma_wait3A_357 = arith.constant 0 : i32
        %dma_wait3A_358 = tpu.memref_slice %arg6[%dma_wait3A_345, %dma_wait3A_356, %dma_wait3A_357] : memref<5x128x128xf32, #tpu.memory_space<vmem>> -> memref<1x128x128xf32, #tpu.memory_space<vmem>>
        %dma_wait3A_359 = tpu.memref_squeeze %dma_wait3A_358 : memref<1x128x128xf32, #tpu.memory_space<vmem>> -> memref<128x128xf32, #tpu.memory_space<vmem>>
        tpu.wait_dma2 semaphore(%arg15 : memref<!tpu.dma_semaphore, #tpu.memory_space<semaphore_mem>>) src(%dma_wait3A_359 : memref<128x128xf32, #tpu.memory_space<vmem>>) dst(%dma_wait3A_355 : memref<128x128xf32, #tpu.memory_space<hbm>>)
      } else {
      }
      %add3A_168 = arith.constant 2 : i32
      %add3A_169 = arith.addi %add3A_155, %add3A_168 : i32
      %lt3A_170 = arith.constant 50 : i32
      %lt3A_171 = arith.cmpi slt, %add3A_169, %lt3A_170 : i32
      %convert_element_type3A_172 = arith.extui %lt3A_171 : i1 to i32
      %cond3A_173 = arith.constant 0 : i32
      %cond3A_174 = arith.cmpi ne, %convert_element_type3A_172, %cond3A_173 : i32
      scf.if %cond3A_174 {
        %add3A_342 = arith.constant 2 : i32
        %add3A_343 = arith.addi %add3A_155, %add3A_342 : i32
        %dma_start3A_344 = arith.constant 3 : i32
        %dma_start3A_345 = arith.constant 0 : i32
        %dma_start3A_346 = arith.constant 0 : i32
        %dma_start3A_347 = tpu.memref_slice %arg6[%dma_start3A_344, %dma_start3A_345, %dma_start3A_346] : memref<5x128x128xf32, #tpu.memory_space<vmem>> -> memref<1x128x128xf32, #tpu.memory_space<vmem>>
        %dma_start3A_348 = tpu.memref_squeeze %dma_start3A_347 : memref<1x128x128xf32, #tpu.memory_space<vmem>> -> memref<128x128xf32, #tpu.memory_space<vmem>>
        %dma_start3A_349 = arith.constant 0 : i32
        %dma_start3A_350 = tpu.memref_slice %arg5[%add3A_343, %dma_start3A_349] : memref<50x128xi32, #tpu.memory_space<vmem>> -> memref<1x128xi32, #tpu.memory_space<vmem>>
        %dma_start3A_351 = tpu.memref_squeeze %dma_start3A_350 : memref<1x128xi32, #tpu.memory_space<vmem>> -> memref<128xi32, #tpu.memory_space<vmem>>
        %dma_start3A_352 = arith.constant 0 : i32
        %dma_start3A_353 = arith.constant 0 : i32
        %dma_start3A_354 = tpu.memref_slice %arg3[%dma_start3A_352, %dma_start3A_353] : memref<100000x128xf32, #tpu.memory_space<hbm>> -> memref<100000x128xf32, #tpu.memory_space<hbm>>
        tpu.enqueue_indirect_dma source(%dma_start3A_354 : memref<100000x128xf32, #tpu.memory_space<hbm>>) target(%dma_start3A_348 : memref<128x128xf32, #tpu.memory_space<vmem>>) offsets(%dma_start3A_351 : memref<128xi32, #tpu.memory_space<vmem>>) semaphore(%arg10 : memref<!tpu.dma_semaphore, #tpu.memory_space<semaphore_mem>>)
      } else {
      }
      %dma_wait3A_175 = arith.constant 1 : i32
      %dma_wait3A_176 = arith.constant 0 : i32
      %dma_wait3A_177 = arith.constant 0 : i32
      %dma_wait3A_178 = tpu.memref_slice %arg6[%dma_wait3A_175, %dma_wait3A_176, %dma_wait3A_177] : memref<5x128x128xf32, #tpu.memory_space<vmem>> -> memref<1x128x128xf32, #tpu.memory_space<vmem>>
      %dma_wait3A_179 = tpu.memref_squeeze %dma_wait3A_178 : memref<1x128x128xf32, #tpu.memory_space<vmem>> -> memref<128x128xf32, #tpu.memory_space<vmem>>
      %dma_wait3A_180 = arith.constant 0 : i32
      %dma_wait3A_181 = tpu.memref_slice %arg5[%add3A_155, %dma_wait3A_180] : memref<50x128xi32, #tpu.memory_space<vmem>> -> memref<1x128xi32, #tpu.memory_space<vmem>>
      %dma_wait3A_182 = tpu.memref_squeeze %dma_wait3A_181 : memref<1x128xi32, #tpu.memory_space<vmem>> -> memref<128xi32, #tpu.memory_space<vmem>>
      %dma_wait3A_183 = arith.constant 0 : i32
      %dma_wait3A_184 = arith.constant 0 : i32
      %dma_wait3A_185 = tpu.memref_slice %arg3[%dma_wait3A_183, %dma_wait3A_184] : memref<100000x128xf32, #tpu.memory_space<hbm>> -> memref<100000x128xf32, #tpu.memory_space<hbm>>
      tpu.wait_indirect_dma semaphore(%arg8 : memref<!tpu.dma_semaphore, #tpu.memory_space<semaphore_mem>>) src(%dma_wait3A_185 : memref<100000x128xf32, #tpu.memory_space<hbm>>) dst(%dma_wait3A_179 : memref<128x128xf32, #tpu.memory_space<vmem>>)
      %dma_start3A_186 = arith.constant 1 : i32
      %dma_start3A_187 = arith.constant 0 : i32
      %dma_start3A_188 = arith.constant 0 : i32
      %dma_start3A_189 = tpu.memref_slice %arg6[%dma_start3A_186, %dma_start3A_187, %dma_start3A_188] : memref<5x128x128xf32, #tpu.memory_space<vmem>> -> memref<1x128x128xf32, #tpu.memory_space<vmem>>
      %dma_start3A_190 = tpu.memref_squeeze %dma_start3A_189 : memref<1x128x128xf32, #tpu.memory_space<vmem>> -> memref<128x128xf32, #tpu.memory_space<vmem>>
      %dma_start3A_191 = arith.constant 0 : i32
      %dma_start3A_192 = tpu.memref_slice %arg4[%add3A_155, %mul3A_2, %dma_start3A_191] : memref<50x4096x128xf32, #tpu.memory_space<hbm>> -> memref<1x128x128xf32, #tpu.memory_space<hbm>>
      %dma_start3A_193 = tpu.memref_squeeze %dma_start3A_192 : memref<1x128x128xf32, #tpu.memory_space<hbm>> -> memref<128x128xf32, #tpu.memory_space<hbm>>
      %dma_start3A_194 = arith.constant 0 : i32
      %dma_start3A_195 = tpu.memref_slice %arg4[%add3A_155, %mul3A_2, %dma_start3A_194] : memref<50x4096x128xf32, #tpu.memory_space<hbm>> -> memref<1x128x128xf32, #tpu.memory_space<hbm>>
      %dma_start3A_196 = tpu.memref_squeeze %dma_start3A_195 : memref<1x128x128xf32, #tpu.memory_space<hbm>> -> memref<128x128xf32, #tpu.memory_space<hbm>>
      %dma_start3A_197 = arith.constant 0 : i32
      %dma_start3A_198 = arith.constant 0 : i32
      %dma_start3A_199 = tpu.memref_slice %arg6[%dma_start3A_186, %dma_start3A_197, %dma_start3A_198] : memref<5x128x128xf32, #tpu.memory_space<vmem>> -> memref<1x128x128xf32, #tpu.memory_space<vmem>>
      %dma_start3A_200 = tpu.memref_squeeze %dma_start3A_199 : memref<1x128x128xf32, #tpu.memory_space<vmem>> -> memref<128x128xf32, #tpu.memory_space<vmem>>
      tpu.enqueue_dma source(%dma_start3A_200 : memref<128x128xf32, #tpu.memory_space<vmem>>) target(%dma_start3A_196 : memref<128x128xf32, #tpu.memory_space<hbm>>) target_semaphore(%arg13 : memref<!tpu.dma_semaphore, #tpu.memory_space<semaphore_mem>>)
      %add3A_201 = arith.constant 2 : i32
      %add3A_202 = arith.addi %mul3A_111, %add3A_201 : i32
      %add3A_203 = arith.constant 2 : i32
      %add3A_204 = arith.addi %add3A_202, %add3A_203 : i32
      %lt3A_205 = arith.constant 50 : i32
      %lt3A_206 = arith.cmpi slt, %add3A_204, %lt3A_205 : i32
      %add3A_207 = arith.constant 2 : i32
      %add3A_208 = arith.addi %add3A_202, %add3A_207 : i32
      %ge3A_209 = arith.constant 5 : i32
      %ge3A_210 = arith.cmpi sge, %add3A_208, %ge3A_209 : i32
      %and3A_211 = arith.andi %lt3A_206, %ge3A_210 : i1
      %convert_element_type3A_212 = arith.extui %and3A_211 : i1 to i32
      %cond3A_213 = arith.constant 0 : i32
      %cond3A_214 = arith.cmpi ne, %convert_element_type3A_212, %cond3A_213 : i32
      scf.if %cond3A_214 {
        %add3A_342 = arith.constant 2 : i32
        %add3A_343 = arith.addi %add3A_202, %add3A_342 : i32
        %sub3A = arith.constant 5 : i32
        %sub3A_344 = arith.subi %add3A_343, %sub3A : i32
        %dma_wait3A_345 = arith.constant 4 : i32
        %dma_wait3A_346 = arith.constant 0 : i32
        %dma_wait3A_347 = arith.constant 0 : i32
        %dma_wait3A_348 = tpu.memref_slice %arg6[%dma_wait3A_345, %dma_wait3A_346, %dma_wait3A_347] : memref<5x128x128xf32, #tpu.memory_space<vmem>> -> memref<1x128x128xf32, #tpu.memory_space<vmem>>
        %dma_wait3A_349 = tpu.memref_squeeze %dma_wait3A_348 : memref<1x128x128xf32, #tpu.memory_space<vmem>> -> memref<128x128xf32, #tpu.memory_space<vmem>>
        %dma_wait3A_350 = arith.constant 0 : i32
        %dma_wait3A_351 = tpu.memref_slice %arg4[%sub3A_344, %mul3A_2, %dma_wait3A_350] : memref<50x4096x128xf32, #tpu.memory_space<hbm>> -> memref<1x128x128xf32, #tpu.memory_space<hbm>>
        %dma_wait3A_352 = tpu.memref_squeeze %dma_wait3A_351 : memref<1x128x128xf32, #tpu.memory_space<hbm>> -> memref<128x128xf32, #tpu.memory_space<hbm>>
        %dma_wait3A_353 = arith.constant 0 : i32
        %dma_wait3A_354 = tpu.memref_slice %arg4[%sub3A_344, %mul3A_2, %dma_wait3A_353] : memref<50x4096x128xf32, #tpu.memory_space<hbm>> -> memref<1x128x128xf32, #tpu.memory_space<hbm>>
        %dma_wait3A_355 = tpu.memref_squeeze %dma_wait3A_354 : memref<1x128x128xf32, #tpu.memory_space<hbm>> -> memref<128x128xf32, #tpu.memory_space<hbm>>
        %dma_wait3A_356 = arith.constant 0 : i32
        %dma_wait3A_357 = arith.constant 0 : i32
        %dma_wait3A_358 = tpu.memref_slice %arg6[%dma_wait3A_345, %dma_wait3A_356, %dma_wait3A_357] : memref<5x128x128xf32, #tpu.memory_space<vmem>> -> memref<1x128x128xf32, #tpu.memory_space<vmem>>
        %dma_wait3A_359 = tpu.memref_squeeze %dma_wait3A_358 : memref<1x128x128xf32, #tpu.memory_space<vmem>> -> memref<128x128xf32, #tpu.memory_space<vmem>>
        tpu.wait_dma2 semaphore(%arg16 : memref<!tpu.dma_semaphore, #tpu.memory_space<semaphore_mem>>) src(%dma_wait3A_359 : memref<128x128xf32, #tpu.memory_space<vmem>>) dst(%dma_wait3A_355 : memref<128x128xf32, #tpu.memory_space<hbm>>)
      } else {
      }
      %add3A_215 = arith.constant 2 : i32
      %add3A_216 = arith.addi %add3A_202, %add3A_215 : i32
      %lt3A_217 = arith.constant 50 : i32
      %lt3A_218 = arith.cmpi slt, %add3A_216, %lt3A_217 : i32
      %convert_element_type3A_219 = arith.extui %lt3A_218 : i1 to i32
      %cond3A_220 = arith.constant 0 : i32
      %cond3A_221 = arith.cmpi ne, %convert_element_type3A_219, %cond3A_220 : i32
      scf.if %cond3A_221 {
        %add3A_342 = arith.constant 2 : i32
        %add3A_343 = arith.addi %add3A_202, %add3A_342 : i32
        %dma_start3A_344 = arith.constant 4 : i32
        %dma_start3A_345 = arith.constant 0 : i32
        %dma_start3A_346 = arith.constant 0 : i32
        %dma_start3A_347 = tpu.memref_slice %arg6[%dma_start3A_344, %dma_start3A_345, %dma_start3A_346] : memref<5x128x128xf32, #tpu.memory_space<vmem>> -> memref<1x128x128xf32, #tpu.memory_space<vmem>>
        %dma_start3A_348 = tpu.memref_squeeze %dma_start3A_347 : memref<1x128x128xf32, #tpu.memory_space<vmem>> -> memref<128x128xf32, #tpu.memory_space<vmem>>
        %dma_start3A_349 = arith.constant 0 : i32
        %dma_start3A_350 = tpu.memref_slice %arg5[%add3A_343, %dma_start3A_349] : memref<50x128xi32, #tpu.memory_space<vmem>> -> memref<1x128xi32, #tpu.memory_space<vmem>>
        %dma_start3A_351 = tpu.memref_squeeze %dma_start3A_350 : memref<1x128xi32, #tpu.memory_space<vmem>> -> memref<128xi32, #tpu.memory_space<vmem>>
        %dma_start3A_352 = arith.constant 0 : i32
        %dma_start3A_353 = arith.constant 0 : i32
        %dma_start3A_354 = tpu.memref_slice %arg3[%dma_start3A_352, %dma_start3A_353] : memref<100000x128xf32, #tpu.memory_space<hbm>> -> memref<100000x128xf32, #tpu.memory_space<hbm>>
        tpu.enqueue_indirect_dma source(%dma_start3A_354 : memref<100000x128xf32, #tpu.memory_space<hbm>>) target(%dma_start3A_348 : memref<128x128xf32, #tpu.memory_space<vmem>>) offsets(%dma_start3A_351 : memref<128xi32, #tpu.memory_space<vmem>>) semaphore(%arg11 : memref<!tpu.dma_semaphore, #tpu.memory_space<semaphore_mem>>)
      } else {
      }
      %dma_wait3A_222 = arith.constant 2 : i32
      %dma_wait3A_223 = arith.constant 0 : i32
      %dma_wait3A_224 = arith.constant 0 : i32
      %dma_wait3A_225 = tpu.memref_slice %arg6[%dma_wait3A_222, %dma_wait3A_223, %dma_wait3A_224] : memref<5x128x128xf32, #tpu.memory_space<vmem>> -> memref<1x128x128xf32, #tpu.memory_space<vmem>>
      %dma_wait3A_226 = tpu.memref_squeeze %dma_wait3A_225 : memref<1x128x128xf32, #tpu.memory_space<vmem>> -> memref<128x128xf32, #tpu.memory_space<vmem>>
      %dma_wait3A_227 = arith.constant 0 : i32
      %dma_wait3A_228 = tpu.memref_slice %arg5[%add3A_202, %dma_wait3A_227] : memref<50x128xi32, #tpu.memory_space<vmem>> -> memref<1x128xi32, #tpu.memory_space<vmem>>
      %dma_wait3A_229 = tpu.memref_squeeze %dma_wait3A_228 : memref<1x128xi32, #tpu.memory_space<vmem>> -> memref<128xi32, #tpu.memory_space<vmem>>
      %dma_wait3A_230 = arith.constant 0 : i32
      %dma_wait3A_231 = arith.constant 0 : i32
      %dma_wait3A_232 = tpu.memref_slice %arg3[%dma_wait3A_230, %dma_wait3A_231] : memref<100000x128xf32, #tpu.memory_space<hbm>> -> memref<100000x128xf32, #tpu.memory_space<hbm>>
      tpu.wait_indirect_dma semaphore(%arg9 : memref<!tpu.dma_semaphore, #tpu.memory_space<semaphore_mem>>) src(%dma_wait3A_232 : memref<100000x128xf32, #tpu.memory_space<hbm>>) dst(%dma_wait3A_226 : memref<128x128xf32, #tpu.memory_space<vmem>>)
      %dma_start3A_233 = arith.constant 2 : i32
      %dma_start3A_234 = arith.constant 0 : i32
      %dma_start3A_235 = arith.constant 0 : i32
      %dma_start3A_236 = tpu.memref_slice %arg6[%dma_start3A_233, %dma_start3A_234, %dma_start3A_235] : memref<5x128x128xf32, #tpu.memory_space<vmem>> -> memref<1x128x128xf32, #tpu.memory_space<vmem>>
      %dma_start3A_237 = tpu.memref_squeeze %dma_start3A_236 : memref<1x128x128xf32, #tpu.memory_space<vmem>> -> memref<128x128xf32, #tpu.memory_space<vmem>>
      %dma_start3A_238 = arith.constant 0 : i32
      %dma_start3A_239 = tpu.memref_slice %arg4[%add3A_202, %mul3A_2, %dma_start3A_238] : memref<50x4096x128xf32, #tpu.memory_space<hbm>> -> memref<1x128x128xf32, #tpu.memory_space<hbm>>
      %dma_start3A_240 = tpu.memref_squeeze %dma_start3A_239 : memref<1x128x128xf32, #tpu.memory_space<hbm>> -> memref<128x128xf32, #tpu.memory_space<hbm>>
      %dma_start3A_241 = arith.constant 0 : i32
      %dma_start3A_242 = tpu.memref_slice %arg4[%add3A_202, %mul3A_2, %dma_start3A_241] : memref<50x4096x128xf32, #tpu.memory_space<hbm>> -> memref<1x128x128xf32, #tpu.memory_space<hbm>>
      %dma_start3A_243 = tpu.memref_squeeze %dma_start3A_242 : memref<1x128x128xf32, #tpu.memory_space<hbm>> -> memref<128x128xf32, #tpu.memory_space<hbm>>
      %dma_start3A_244 = arith.constant 0 : i32
      %dma_start3A_245 = arith.constant 0 : i32
      %dma_start3A_246 = tpu.memref_slice %arg6[%dma_start3A_233, %dma_start3A_244, %dma_start3A_245] : memref<5x128x128xf32, #tpu.memory_space<vmem>> -> memref<1x128x128xf32, #tpu.memory_space<vmem>>
      %dma_start3A_247 = tpu.memref_squeeze %dma_start3A_246 : memref<1x128x128xf32, #tpu.memory_space<vmem>> -> memref<128x128xf32, #tpu.memory_space<vmem>>
      tpu.enqueue_dma source(%dma_start3A_247 : memref<128x128xf32, #tpu.memory_space<vmem>>) target(%dma_start3A_243 : memref<128x128xf32, #tpu.memory_space<hbm>>) target_semaphore(%arg14 : memref<!tpu.dma_semaphore, #tpu.memory_space<semaphore_mem>>)
      %add3A_248 = arith.constant 3 : i32
      %add3A_249 = arith.addi %mul3A_111, %add3A_248 : i32
      %add3A_250 = arith.constant 2 : i32
      %add3A_251 = arith.addi %add3A_249, %add3A_250 : i32
      %lt3A_252 = arith.constant 50 : i32
      %lt3A_253 = arith.cmpi slt, %add3A_251, %lt3A_252 : i32
      %add3A_254 = arith.constant 2 : i32
      %add3A_255 = arith.addi %add3A_249, %add3A_254 : i32
      %ge3A_256 = arith.constant 5 : i32
      %ge3A_257 = arith.cmpi sge, %add3A_255, %ge3A_256 : i32
      %and3A_258 = arith.andi %lt3A_253, %ge3A_257 : i1
      %convert_element_type3A_259 = arith.extui %and3A_258 : i1 to i32
      %cond3A_260 = arith.constant 0 : i32
      %cond3A_261 = arith.cmpi ne, %convert_element_type3A_259, %cond3A_260 : i32
      scf.if %cond3A_261 {
        %add3A_342 = arith.constant 2 : i32
        %add3A_343 = arith.addi %add3A_249, %add3A_342 : i32
        %sub3A = arith.constant 5 : i32
        %sub3A_344 = arith.subi %add3A_343, %sub3A : i32
        %dma_wait3A_345 = arith.constant 0 : i32
        %dma_wait3A_346 = arith.constant 0 : i32
        %dma_wait3A_347 = arith.constant 0 : i32
        %dma_wait3A_348 = tpu.memref_slice %arg6[%dma_wait3A_345, %dma_wait3A_346, %dma_wait3A_347] : memref<5x128x128xf32, #tpu.memory_space<vmem>> -> memref<1x128x128xf32, #tpu.memory_space<vmem>>
        %dma_wait3A_349 = tpu.memref_squeeze %dma_wait3A_348 : memref<1x128x128xf32, #tpu.memory_space<vmem>> -> memref<128x128xf32, #tpu.memory_space<vmem>>
        %dma_wait3A_350 = arith.constant 0 : i32
        %dma_wait3A_351 = tpu.memref_slice %arg4[%sub3A_344, %mul3A_2, %dma_wait3A_350] : memref<50x4096x128xf32, #tpu.memory_space<hbm>> -> memref<1x128x128xf32, #tpu.memory_space<hbm>>
        %dma_wait3A_352 = tpu.memref_squeeze %dma_wait3A_351 : memref<1x128x128xf32, #tpu.memory_space<hbm>> -> memref<128x128xf32, #tpu.memory_space<hbm>>
        %dma_wait3A_353 = arith.constant 0 : i32
        %dma_wait3A_354 = tpu.memref_slice %arg4[%sub3A_344, %mul3A_2, %dma_wait3A_353] : memref<50x4096x128xf32, #tpu.memory_space<hbm>> -> memref<1x128x128xf32, #tpu.memory_space<hbm>>
        %dma_wait3A_355 = tpu.memref_squeeze %dma_wait3A_354 : memref<1x128x128xf32, #tpu.memory_space<hbm>> -> memref<128x128xf32, #tpu.memory_space<hbm>>
        %dma_wait3A_356 = arith.constant 0 : i32
        %dma_wait3A_357 = arith.constant 0 : i32
        %dma_wait3A_358 = tpu.memref_slice %arg6[%dma_wait3A_345, %dma_wait3A_356, %dma_wait3A_357] : memref<5x128x128xf32, #tpu.memory_space<vmem>> -> memref<1x128x128xf32, #tpu.memory_space<vmem>>
        %dma_wait3A_359 = tpu.memref_squeeze %dma_wait3A_358 : memref<1x128x128xf32, #tpu.memory_space<vmem>> -> memref<128x128xf32, #tpu.memory_space<vmem>>
        tpu.wait_dma2 semaphore(%arg12 : memref<!tpu.dma_semaphore, #tpu.memory_space<semaphore_mem>>) src(%dma_wait3A_359 : memref<128x128xf32, #tpu.memory_space<vmem>>) dst(%dma_wait3A_355 : memref<128x128xf32, #tpu.memory_space<hbm>>)
      } else {
      }
      %add3A_262 = arith.constant 2 : i32
      %add3A_263 = arith.addi %add3A_249, %add3A_262 : i32
      %lt3A_264 = arith.constant 50 : i32
      %lt3A_265 = arith.cmpi slt, %add3A_263, %lt3A_264 : i32
      %convert_element_type3A_266 = arith.extui %lt3A_265 : i1 to i32
      %cond3A_267 = arith.constant 0 : i32
      %cond3A_268 = arith.cmpi ne, %convert_element_type3A_266, %cond3A_267 : i32
      scf.if %cond3A_268 {
        %add3A_342 = arith.constant 2 : i32
        %add3A_343 = arith.addi %add3A_249, %add3A_342 : i32
        %dma_start3A_344 = arith.constant 0 : i32
        %dma_start3A_345 = arith.constant 0 : i32
        %dma_start3A_346 = arith.constant 0 : i32
        %dma_start3A_347 = tpu.memref_slice %arg6[%dma_start3A_344, %dma_start3A_345, %dma_start3A_346] : memref<5x128x128xf32, #tpu.memory_space<vmem>> -> memref<1x128x128xf32, #tpu.memory_space<vmem>>
        %dma_start3A_348 = tpu.memref_squeeze %dma_start3A_347 : memref<1x128x128xf32, #tpu.memory_space<vmem>> -> memref<128x128xf32, #tpu.memory_space<vmem>>
        %dma_start3A_349 = arith.constant 0 : i32
        %dma_start3A_350 = tpu.memref_slice %arg5[%add3A_343, %dma_start3A_349] : memref<50x128xi32, #tpu.memory_space<vmem>> -> memref<1x128xi32, #tpu.memory_space<vmem>>
        %dma_start3A_351 = tpu.memref_squeeze %dma_start3A_350 : memref<1x128xi32, #tpu.memory_space<vmem>> -> memref<128xi32, #tpu.memory_space<vmem>>
        %dma_start3A_352 = arith.constant 0 : i32
        %dma_start3A_353 = arith.constant 0 : i32
        %dma_start3A_354 = tpu.memref_slice %arg3[%dma_start3A_352, %dma_start3A_353] : memref<100000x128xf32, #tpu.memory_space<hbm>> -> memref<100000x128xf32, #tpu.memory_space<hbm>>
        tpu.enqueue_indirect_dma source(%dma_start3A_354 : memref<100000x128xf32, #tpu.memory_space<hbm>>) target(%dma_start3A_348 : memref<128x128xf32, #tpu.memory_space<vmem>>) offsets(%dma_start3A_351 : memref<128xi32, #tpu.memory_space<vmem>>) semaphore(%arg7 : memref<!tpu.dma_semaphore, #tpu.memory_space<semaphore_mem>>)
      } else {
      }
      %dma_wait3A_269 = arith.constant 3 : i32
      %dma_wait3A_270 = arith.constant 0 : i32
      %dma_wait3A_271 = arith.constant 0 : i32
      %dma_wait3A_272 = tpu.memref_slice %arg6[%dma_wait3A_269, %dma_wait3A_270, %dma_wait3A_271] : memref<5x128x128xf32, #tpu.memory_space<vmem>> -> memref<1x128x128xf32, #tpu.memory_space<vmem>>
      %dma_wait3A_273 = tpu.memref_squeeze %dma_wait3A_272 : memref<1x128x128xf32, #tpu.memory_space<vmem>> -> memref<128x128xf32, #tpu.memory_space<vmem>>
      %dma_wait3A_274 = arith.constant 0 : i32
      %dma_wait3A_275 = tpu.memref_slice %arg5[%add3A_249, %dma_wait3A_274] : memref<50x128xi32, #tpu.memory_space<vmem>> -> memref<1x128xi32, #tpu.memory_space<vmem>>
      %dma_wait3A_276 = tpu.memref_squeeze %dma_wait3A_275 : memref<1x128xi32, #tpu.memory_space<vmem>> -> memref<128xi32, #tpu.memory_space<vmem>>
      %dma_wait3A_277 = arith.constant 0 : i32
      %dma_wait3A_278 = arith.constant 0 : i32
      %dma_wait3A_279 = tpu.memref_slice %arg3[%dma_wait3A_277, %dma_wait3A_278] : memref<100000x128xf32, #tpu.memory_space<hbm>> -> memref<100000x128xf32, #tpu.memory_space<hbm>>
      tpu.wait_indirect_dma semaphore(%arg10 : memref<!tpu.dma_semaphore, #tpu.memory_space<semaphore_mem>>) src(%dma_wait3A_279 : memref<100000x128xf32, #tpu.memory_space<hbm>>) dst(%dma_wait3A_273 : memref<128x128xf32, #tpu.memory_space<vmem>>)
      %dma_start3A_280 = arith.constant 3 : i32
      %dma_start3A_281 = arith.constant 0 : i32
      %dma_start3A_282 = arith.constant 0 : i32
      %dma_start3A_283 = tpu.memref_slice %arg6[%dma_start3A_280, %dma_start3A_281, %dma_start3A_282] : memref<5x128x128xf32, #tpu.memory_space<vmem>> -> memref<1x128x128xf32, #tpu.memory_space<vmem>>
      %dma_start3A_284 = tpu.memref_squeeze %dma_start3A_283 : memref<1x128x128xf32, #tpu.memory_space<vmem>> -> memref<128x128xf32, #tpu.memory_space<vmem>>
      %dma_start3A_285 = arith.constant 0 : i32
      %dma_start3A_286 = tpu.memref_slice %arg4[%add3A_249, %mul3A_2, %dma_start3A_285] : memref<50x4096x128xf32, #tpu.memory_space<hbm>> -> memref<1x128x128xf32, #tpu.memory_space<hbm>>
      %dma_start3A_287 = tpu.memref_squeeze %dma_start3A_286 : memref<1x128x128xf32, #tpu.memory_space<hbm>> -> memref<128x128xf32, #tpu.memory_space<hbm>>
      %dma_start3A_288 = arith.constant 0 : i32
      %dma_start3A_289 = tpu.memref_slice %arg4[%add3A_249, %mul3A_2, %dma_start3A_288] : memref<50x4096x128xf32, #tpu.memory_space<hbm>> -> memref<1x128x128xf32, #tpu.memory_space<hbm>>
      %dma_start3A_290 = tpu.memref_squeeze %dma_start3A_289 : memref<1x128x128xf32, #tpu.memory_space<hbm>> -> memref<128x128xf32, #tpu.memory_space<hbm>>
      %dma_start3A_291 = arith.constant 0 : i32
      %dma_start3A_292 = arith.constant 0 : i32
      %dma_start3A_293 = tpu.memref_slice %arg6[%dma_start3A_280, %dma_start3A_291, %dma_start3A_292] : memref<5x128x128xf32, #tpu.memory_space<vmem>> -> memref<1x128x128xf32, #tpu.memory_space<vmem>>
      %dma_start3A_294 = tpu.memref_squeeze %dma_start3A_293 : memref<1x128x128xf32, #tpu.memory_space<vmem>> -> memref<128x128xf32, #tpu.memory_space<vmem>>
      tpu.enqueue_dma source(%dma_start3A_294 : memref<128x128xf32, #tpu.memory_space<vmem>>) target(%dma_start3A_290 : memref<128x128xf32, #tpu.memory_space<hbm>>) target_semaphore(%arg15 : memref<!tpu.dma_semaphore, #tpu.memory_space<semaphore_mem>>)
      %add3A_295 = arith.constant 4 : i32
      %add3A_296 = arith.addi %mul3A_111, %add3A_295 : i32
      %add3A_297 = arith.constant 2 : i32
      %add3A_298 = arith.addi %add3A_296, %add3A_297 : i32
      %lt3A_299 = arith.constant 50 : i32
      %lt3A_300 = arith.cmpi slt, %add3A_298, %lt3A_299 : i32
      %add3A_301 = arith.constant 2 : i32
      %add3A_302 = arith.addi %add3A_296, %add3A_301 : i32
      %ge3A_303 = arith.constant 5 : i32
      %ge3A_304 = arith.cmpi sge, %add3A_302, %ge3A_303 : i32
      %and3A_305 = arith.andi %lt3A_300, %ge3A_304 : i1
      %convert_element_type3A_306 = arith.extui %and3A_305 : i1 to i32
      %cond3A_307 = arith.constant 0 : i32
      %cond3A_308 = arith.cmpi ne, %convert_element_type3A_306, %cond3A_307 : i32
      scf.if %cond3A_308 {
        %add3A_342 = arith.constant 2 : i32
        %add3A_343 = arith.addi %add3A_296, %add3A_342 : i32
        %sub3A = arith.constant 5 : i32
        %sub3A_344 = arith.subi %add3A_343, %sub3A : i32
        %dma_wait3A_345 = arith.constant 1 : i32
        %dma_wait3A_346 = arith.constant 0 : i32
        %dma_wait3A_347 = arith.constant 0 : i32
        %dma_wait3A_348 = tpu.memref_slice %arg6[%dma_wait3A_345, %dma_wait3A_346, %dma_wait3A_347] : memref<5x128x128xf32, #tpu.memory_space<vmem>> -> memref<1x128x128xf32, #tpu.memory_space<vmem>>
        %dma_wait3A_349 = tpu.memref_squeeze %dma_wait3A_348 : memref<1x128x128xf32, #tpu.memory_space<vmem>> -> memref<128x128xf32, #tpu.memory_space<vmem>>
        %dma_wait3A_350 = arith.constant 0 : i32
        %dma_wait3A_351 = tpu.memref_slice %arg4[%sub3A_344, %mul3A_2, %dma_wait3A_350] : memref<50x4096x128xf32, #tpu.memory_space<hbm>> -> memref<1x128x128xf32, #tpu.memory_space<hbm>>
        %dma_wait3A_352 = tpu.memref_squeeze %dma_wait3A_351 : memref<1x128x128xf32, #tpu.memory_space<hbm>> -> memref<128x128xf32, #tpu.memory_space<hbm>>
        %dma_wait3A_353 = arith.constant 0 : i32
        %dma_wait3A_354 = tpu.memref_slice %arg4[%sub3A_344, %mul3A_2, %dma_wait3A_353] : memref<50x4096x128xf32, #tpu.memory_space<hbm>> -> memref<1x128x128xf32, #tpu.memory_space<hbm>>
        %dma_wait3A_355 = tpu.memref_squeeze %dma_wait3A_354 : memref<1x128x128xf32, #tpu.memory_space<hbm>> -> memref<128x128xf32, #tpu.memory_space<hbm>>
        %dma_wait3A_356 = arith.constant 0 : i32
        %dma_wait3A_357 = arith.constant 0 : i32
        %dma_wait3A_358 = tpu.memref_slice %arg6[%dma_wait3A_345, %dma_wait3A_356, %dma_wait3A_357] : memref<5x128x128xf32, #tpu.memory_space<vmem>> -> memref<1x128x128xf32, #tpu.memory_space<vmem>>
        %dma_wait3A_359 = tpu.memref_squeeze %dma_wait3A_358 : memref<1x128x128xf32, #tpu.memory_space<vmem>> -> memref<128x128xf32, #tpu.memory_space<vmem>>
        tpu.wait_dma2 semaphore(%arg13 : memref<!tpu.dma_semaphore, #tpu.memory_space<semaphore_mem>>) src(%dma_wait3A_359 : memref<128x128xf32, #tpu.memory_space<vmem>>) dst(%dma_wait3A_355 : memref<128x128xf32, #tpu.memory_space<hbm>>)
      } else {
      }
      %add3A_309 = arith.constant 2 : i32
      %add3A_310 = arith.addi %add3A_296, %add3A_309 : i32
      %lt3A_311 = arith.constant 50 : i32
      %lt3A_312 = arith.cmpi slt, %add3A_310, %lt3A_311 : i32
      %convert_element_type3A_313 = arith.extui %lt3A_312 : i1 to i32
      %cond3A_314 = arith.constant 0 : i32
      %cond3A_315 = arith.cmpi ne, %convert_element_type3A_313, %cond3A_314 : i32
      scf.if %cond3A_315 {
        %add3A_342 = arith.constant 2 : i32
        %add3A_343 = arith.addi %add3A_296, %add3A_342 : i32
        %dma_start3A_344 = arith.constant 1 : i32
        %dma_start3A_345 = arith.constant 0 : i32
        %dma_start3A_346 = arith.constant 0 : i32
        %dma_start3A_347 = tpu.memref_slice %arg6[%dma_start3A_344, %dma_start3A_345, %dma_start3A_346] : memref<5x128x128xf32, #tpu.memory_space<vmem>> -> memref<1x128x128xf32, #tpu.memory_space<vmem>>
        %dma_start3A_348 = tpu.memref_squeeze %dma_start3A_347 : memref<1x128x128xf32, #tpu.memory_space<vmem>> -> memref<128x128xf32, #tpu.memory_space<vmem>>
        %dma_start3A_349 = arith.constant 0 : i32
        %dma_start3A_350 = tpu.memref_slice %arg5[%add3A_343, %dma_start3A_349] : memref<50x128xi32, #tpu.memory_space<vmem>> -> memref<1x128xi32, #tpu.memory_space<vmem>>
        %dma_start3A_351 = tpu.memref_squeeze %dma_start3A_350 : memref<1x128xi32, #tpu.memory_space<vmem>> -> memref<128xi32, #tpu.memory_space<vmem>>
        %dma_start3A_352 = arith.constant 0 : i32
        %dma_start3A_353 = arith.constant 0 : i32
        %dma_start3A_354 = tpu.memref_slice %arg3[%dma_start3A_352, %dma_start3A_353] : memref<100000x128xf32, #tpu.memory_space<hbm>> -> memref<100000x128xf32, #tpu.memory_space<hbm>>
        tpu.enqueue_indirect_dma source(%dma_start3A_354 : memref<100000x128xf32, #tpu.memory_space<hbm>>) target(%dma_start3A_348 : memref<128x128xf32, #tpu.memory_space<vmem>>) offsets(%dma_start3A_351 : memref<128xi32, #tpu.memory_space<vmem>>) semaphore(%arg8 : memref<!tpu.dma_semaphore, #tpu.memory_space<semaphore_mem>>)
      } else {
      }
      %dma_wait3A_316 = arith.constant 4 : i32
      %dma_wait3A_317 = arith.constant 0 : i32
      %dma_wait3A_318 = arith.constant 0 : i32
      %dma_wait3A_319 = tpu.memref_slice %arg6[%dma_wait3A_316, %dma_wait3A_317, %dma_wait3A_318] : memref<5x128x128xf32, #tpu.memory_space<vmem>> -> memref<1x128x128xf32, #tpu.memory_space<vmem>>
      %dma_wait3A_320 = tpu.memref_squeeze %dma_wait3A_319 : memref<1x128x128xf32, #tpu.memory_space<vmem>> -> memref<128x128xf32, #tpu.memory_space<vmem>>
      %dma_wait3A_321 = arith.constant 0 : i32
      %dma_wait3A_322 = tpu.memref_slice %arg5[%add3A_296, %dma_wait3A_321] : memref<50x128xi32, #tpu.memory_space<vmem>> -> memref<1x128xi32, #tpu.memory_space<vmem>>
      %dma_wait3A_323 = tpu.memref_squeeze %dma_wait3A_322 : memref<1x128xi32, #tpu.memory_space<vmem>> -> memref<128xi32, #tpu.memory_space<vmem>>
      %dma_wait3A_324 = arith.constant 0 : i32
      %dma_wait3A_325 = arith.constant 0 : i32
      %dma_wait3A_326 = tpu.memref_slice %arg3[%dma_wait3A_324, %dma_wait3A_325] : memref<100000x128xf32, #tpu.memory_space<hbm>> -> memref<100000x128xf32, #tpu.memory_space<hbm>>
      tpu.wait_indirect_dma semaphore(%arg11 : memref<!tpu.dma_semaphore, #tpu.memory_space<semaphore_mem>>) src(%dma_wait3A_326 : memref<100000x128xf32, #tpu.memory_space<hbm>>) dst(%dma_wait3A_320 : memref<128x128xf32, #tpu.memory_space<vmem>>)
      %dma_start3A_327 = arith.constant 4 : i32
      %dma_start3A_328 = arith.constant 0 : i32
      %dma_start3A_329 = arith.constant 0 : i32
      %dma_start3A_330 = tpu.memref_slice %arg6[%dma_start3A_327, %dma_start3A_328, %dma_start3A_329] : memref<5x128x128xf32, #tpu.memory_space<vmem>> -> memref<1x128x128xf32, #tpu.memory_space<vmem>>
      %dma_start3A_331 = tpu.memref_squeeze %dma_start3A_330 : memref<1x128x128xf32, #tpu.memory_space<vmem>> -> memref<128x128xf32, #tpu.memory_space<vmem>>
      %dma_start3A_332 = arith.constant 0 : i32
      %dma_start3A_333 = tpu.memref_slice %arg4[%add3A_296, %mul3A_2, %dma_start3A_332] : memref<50x4096x128xf32, #tpu.memory_space<hbm>> -> memref<1x128x128xf32, #tpu.memory_space<hbm>>
      %dma_start3A_334 = tpu.memref_squeeze %dma_start3A_333 : memref<1x128x128xf32, #tpu.memory_space<hbm>> -> memref<128x128xf32, #tpu.memory_space<hbm>>
      %dma_start3A_335 = arith.constant 0 : i32
      %dma_start3A_336 = tpu.memref_slice %arg4[%add3A_296, %mul3A_2, %dma_start3A_335] : memref<50x4096x128xf32, #tpu.memory_space<hbm>> -> memref<1x128x128xf32, #tpu.memory_space<hbm>>
      %dma_start3A_337 = tpu.memref_squeeze %dma_start3A_336 : memref<1x128x128xf32, #tpu.memory_space<hbm>> -> memref<128x128xf32, #tpu.memory_space<hbm>>
      %dma_start3A_338 = arith.constant 0 : i32
      %dma_start3A_339 = arith.constant 0 : i32
      %dma_start3A_340 = tpu.memref_slice %arg6[%dma_start3A_327, %dma_start3A_338, %dma_start3A_339] : memref<5x128x128xf32, #tpu.memory_space<vmem>> -> memref<1x128x128xf32, #tpu.memory_space<vmem>>
      %dma_start3A_341 = tpu.memref_squeeze %dma_start3A_340 : memref<1x128x128xf32, #tpu.memory_space<vmem>> -> memref<128x128xf32, #tpu.memory_space<vmem>>
      tpu.enqueue_dma source(%dma_start3A_341 : memref<128x128xf32, #tpu.memory_space<vmem>>) target(%dma_start3A_337 : memref<128x128xf32, #tpu.memory_space<hbm>>) target_semaphore(%arg16 : memref<!tpu.dma_semaphore, #tpu.memory_space<semaphore_mem>>)
    }
    %scan3A_29 = arith.constant 10 : i32
    %dma_wait3A = arith.constant 0 : i32
    %dma_wait3A_30 = arith.constant 45 : i32
    %dma_wait3A_31 = arith.constant 0 : i32
    %dma_wait3A_32 = arith.constant 0 : i32
    %dma_wait3A_33 = tpu.memref_slice %arg6[%dma_wait3A, %dma_wait3A_31, %dma_wait3A_32] : memref<5x128x128xf32, #tpu.memory_space<vmem>> -> memref<1x128x128xf32, #tpu.memory_space<vmem>>
    %dma_wait3A_34 = tpu.memref_squeeze %dma_wait3A_33 : memref<1x128x128xf32, #tpu.memory_space<vmem>> -> memref<128x128xf32, #tpu.memory_space<vmem>>
    %dma_wait3A_35 = arith.constant 0 : i32
    %dma_wait3A_36 = tpu.memref_slice %arg4[%dma_wait3A_30, %mul3A_2, %dma_wait3A_35] : memref<50x4096x128xf32, #tpu.memory_space<hbm>> -> memref<1x128x128xf32, #tpu.memory_space<hbm>>
    %dma_wait3A_37 = tpu.memref_squeeze %dma_wait3A_36 : memref<1x128x128xf32, #tpu.memory_space<hbm>> -> memref<128x128xf32, #tpu.memory_space<hbm>>
    %dma_wait3A_38 = arith.constant 0 : i32
    %dma_wait3A_39 = tpu.memref_slice %arg4[%dma_wait3A_30, %mul3A_2, %dma_wait3A_38] : memref<50x4096x128xf32, #tpu.memory_space<hbm>> -> memref<1x128x128xf32, #tpu.memory_space<hbm>>
    %dma_wait3A_40 = tpu.memref_squeeze %dma_wait3A_39 : memref<1x128x128xf32, #tpu.memory_space<hbm>> -> memref<128x128xf32, #tpu.memory_space<hbm>>
    %dma_wait3A_41 = arith.constant 0 : i32
    %dma_wait3A_42 = arith.constant 0 : i32
    %dma_wait3A_43 = tpu.memref_slice %arg6[%dma_wait3A, %dma_wait3A_41, %dma_wait3A_42] : memref<5x128x128xf32, #tpu.memory_space<vmem>> -> memref<1x128x128xf32, #tpu.memory_space<vmem>>
    %dma_wait3A_44 = tpu.memref_squeeze %dma_wait3A_43 : memref<1x128x128xf32, #tpu.memory_space<vmem>> -> memref<128x128xf32, #tpu.memory_space<vmem>>
    tpu.wait_dma2 semaphore(%arg12 : memref<!tpu.dma_semaphore, #tpu.memory_space<semaphore_mem>>) src(%dma_wait3A_44 : memref<128x128xf32, #tpu.memory_space<vmem>>) dst(%dma_wait3A_40 : memref<128x128xf32, #tpu.memory_space<hbm>>)
    %dma_wait3A_45 = arith.constant 1 : i32
    %dma_wait3A_46 = arith.constant 46 : i32
    %dma_wait3A_47 = arith.constant 0 : i32
    %dma_wait3A_48 = arith.constant 0 : i32
    %dma_wait3A_49 = tpu.memref_slice %arg6[%dma_wait3A_45, %dma_wait3A_47, %dma_wait3A_48] : memref<5x128x128xf32, #tpu.memory_space<vmem>> -> memref<1x128x128xf32, #tpu.memory_space<vmem>>
    %dma_wait3A_50 = tpu.memref_squeeze %dma_wait3A_49 : memref<1x128x128xf32, #tpu.memory_space<vmem>> -> memref<128x128xf32, #tpu.memory_space<vmem>>
    %dma_wait3A_51 = arith.constant 0 : i32
    %dma_wait3A_52 = tpu.memref_slice %arg4[%dma_wait3A_46, %mul3A_2, %dma_wait3A_51] : memref<50x4096x128xf32, #tpu.memory_space<hbm>> -> memref<1x128x128xf32, #tpu.memory_space<hbm>>
    %dma_wait3A_53 = tpu.memref_squeeze %dma_wait3A_52 : memref<1x128x128xf32, #tpu.memory_space<hbm>> -> memref<128x128xf32, #tpu.memory_space<hbm>>
    %dma_wait3A_54 = arith.constant 0 : i32
    %dma_wait3A_55 = tpu.memref_slice %arg4[%dma_wait3A_46, %mul3A_2, %dma_wait3A_54] : memref<50x4096x128xf32, #tpu.memory_space<hbm>> -> memref<1x128x128xf32, #tpu.memory_space<hbm>>
    %dma_wait3A_56 = tpu.memref_squeeze %dma_wait3A_55 : memref<1x128x128xf32, #tpu.memory_space<hbm>> -> memref<128x128xf32, #tpu.memory_space<hbm>>
    %dma_wait3A_57 = arith.constant 0 : i32
    %dma_wait3A_58 = arith.constant 0 : i32
    %dma_wait3A_59 = tpu.memref_slice %arg6[%dma_wait3A_45, %dma_wait3A_57, %dma_wait3A_58] : memref<5x128x128xf32, #tpu.memory_space<vmem>> -> memref<1x128x128xf32, #tpu.memory_space<vmem>>
    %dma_wait3A_60 = tpu.memref_squeeze %dma_wait3A_59 : memref<1x128x128xf32, #tpu.memory_space<vmem>> -> memref<128x128xf32, #tpu.memory_space<vmem>>
    tpu.wait_dma2 semaphore(%arg13 : memref<!tpu.dma_semaphore, #tpu.memory_space<semaphore_mem>>) src(%dma_wait3A_60 : memref<128x128xf32, #tpu.memory_space<vmem>>) dst(%dma_wait3A_56 : memref<128x128xf32, #tpu.memory_space<hbm>>)
    %dma_wait3A_61 = arith.constant 2 : i32
    %dma_wait3A_62 = arith.constant 47 : i32
    %dma_wait3A_63 = arith.constant 0 : i32
    %dma_wait3A_64 = arith.constant 0 : i32
    %dma_wait3A_65 = tpu.memref_slice %arg6[%dma_wait3A_61, %dma_wait3A_63, %dma_wait3A_64] : memref<5x128x128xf32, #tpu.memory_space<vmem>> -> memref<1x128x128xf32, #tpu.memory_space<vmem>>
    %dma_wait3A_66 = tpu.memref_squeeze %dma_wait3A_65 : memref<1x128x128xf32, #tpu.memory_space<vmem>> -> memref<128x128xf32, #tpu.memory_space<vmem>>
    %dma_wait3A_67 = arith.constant 0 : i32
    %dma_wait3A_68 = tpu.memref_slice %arg4[%dma_wait3A_62, %mul3A_2, %dma_wait3A_67] : memref<50x4096x128xf32, #tpu.memory_space<hbm>> -> memref<1x128x128xf32, #tpu.memory_space<hbm>>
    %dma_wait3A_69 = tpu.memref_squeeze %dma_wait3A_68 : memref<1x128x128xf32, #tpu.memory_space<hbm>> -> memref<128x128xf32, #tpu.memory_space<hbm>>
    %dma_wait3A_70 = arith.constant 0 : i32
    %dma_wait3A_71 = tpu.memref_slice %arg4[%dma_wait3A_62, %mul3A_2, %dma_wait3A_70] : memref<50x4096x128xf32, #tpu.memory_space<hbm>> -> memref<1x128x128xf32, #tpu.memory_space<hbm>>
    %dma_wait3A_72 = tpu.memref_squeeze %dma_wait3A_71 : memref<1x128x128xf32, #tpu.memory_space<hbm>> -> memref<128x128xf32, #tpu.memory_space<hbm>>
    %dma_wait3A_73 = arith.constant 0 : i32
    %dma_wait3A_74 = arith.constant 0 : i32
    %dma_wait3A_75 = tpu.memref_slice %arg6[%dma_wait3A_61, %dma_wait3A_73, %dma_wait3A_74] : memref<5x128x128xf32, #tpu.memory_space<vmem>> -> memref<1x128x128xf32, #tpu.memory_space<vmem>>
    %dma_wait3A_76 = tpu.memref_squeeze %dma_wait3A_75 : memref<1x128x128xf32, #tpu.memory_space<vmem>> -> memref<128x128xf32, #tpu.memory_space<vmem>>
    tpu.wait_dma2 semaphore(%arg14 : memref<!tpu.dma_semaphore, #tpu.memory_space<semaphore_mem>>) src(%dma_wait3A_76 : memref<128x128xf32, #tpu.memory_space<vmem>>) dst(%dma_wait3A_72 : memref<128x128xf32, #tpu.memory_space<hbm>>)
    %dma_wait3A_77 = arith.constant 3 : i32
    %dma_wait3A_78 = arith.constant 48 : i32
    %dma_wait3A_79 = arith.constant 0 : i32
    %dma_wait3A_80 = arith.constant 0 : i32
    %dma_wait3A_81 = tpu.memref_slice %arg6[%dma_wait3A_77, %dma_wait3A_79, %dma_wait3A_80] : memref<5x128x128xf32, #tpu.memory_space<vmem>> -> memref<1x128x128xf32, #tpu.memory_space<vmem>>
    %dma_wait3A_82 = tpu.memref_squeeze %dma_wait3A_81 : memref<1x128x128xf32, #tpu.memory_space<vmem>> -> memref<128x128xf32, #tpu.memory_space<vmem>>
    %dma_wait3A_83 = arith.constant 0 : i32
    %dma_wait3A_84 = tpu.memref_slice %arg4[%dma_wait3A_78, %mul3A_2, %dma_wait3A_83] : memref<50x4096x128xf32, #tpu.memory_space<hbm>> -> memref<1x128x128xf32, #tpu.memory_space<hbm>>
    %dma_wait3A_85 = tpu.memref_squeeze %dma_wait3A_84 : memref<1x128x128xf32, #tpu.memory_space<hbm>> -> memref<128x128xf32, #tpu.memory_space<hbm>>
    %dma_wait3A_86 = arith.constant 0 : i32
    %dma_wait3A_87 = tpu.memref_slice %arg4[%dma_wait3A_78, %mul3A_2, %dma_wait3A_86] : memref<50x4096x128xf32, #tpu.memory_space<hbm>> -> memref<1x128x128xf32, #tpu.memory_space<hbm>>
    %dma_wait3A_88 = tpu.memref_squeeze %dma_wait3A_87 : memref<1x128x128xf32, #tpu.memory_space<hbm>> -> memref<128x128xf32, #tpu.memory_space<hbm>>
    %dma_wait3A_89 = arith.constant 0 : i32
    %dma_wait3A_90 = arith.constant 0 : i32
    %dma_wait3A_91 = tpu.memref_slice %arg6[%dma_wait3A_77, %dma_wait3A_89, %dma_wait3A_90] : memref<5x128x128xf32, #tpu.memory_space<vmem>> -> memref<1x128x128xf32, #tpu.memory_space<vmem>>
    %dma_wait3A_92 = tpu.memref_squeeze %dma_wait3A_91 : memref<1x128x128xf32, #tpu.memory_space<vmem>> -> memref<128x128xf32, #tpu.memory_space<vmem>>
    tpu.wait_dma2 semaphore(%arg15 : memref<!tpu.dma_semaphore, #tpu.memory_space<semaphore_mem>>) src(%dma_wait3A_92 : memref<128x128xf32, #tpu.memory_space<vmem>>) dst(%dma_wait3A_88 : memref<128x128xf32, #tpu.memory_space<hbm>>)
    %dma_wait3A_93 = arith.constant 4 : i32
    %dma_wait3A_94 = arith.constant 49 : i32
    %dma_wait3A_95 = arith.constant 0 : i32
    %dma_wait3A_96 = arith.constant 0 : i32
    %dma_wait3A_97 = tpu.memref_slice %arg6[%dma_wait3A_93, %dma_wait3A_95, %dma_wait3A_96] : memref<5x128x128xf32, #tpu.memory_space<vmem>> -> memref<1x128x128xf32, #tpu.memory_space<vmem>>
    %dma_wait3A_98 = tpu.memref_squeeze %dma_wait3A_97 : memref<1x128x128xf32, #tpu.memory_space<vmem>> -> memref<128x128xf32, #tpu.memory_space<vmem>>
    %dma_wait3A_99 = arith.constant 0 : i32
    %dma_wait3A_100 = tpu.memref_slice %arg4[%dma_wait3A_94, %mul3A_2, %dma_wait3A_99] : memref<50x4096x128xf32, #tpu.memory_space<hbm>> -> memref<1x128x128xf32, #tpu.memory_space<hbm>>
    %dma_wait3A_101 = tpu.memref_squeeze %dma_wait3A_100 : memref<1x128x128xf32, #tpu.memory_space<hbm>> -> memref<128x128xf32, #tpu.memory_space<hbm>>
    %dma_wait3A_102 = arith.constant 0 : i32
    %dma_wait3A_103 = tpu.memref_slice %arg4[%dma_wait3A_94, %mul3A_2, %dma_wait3A_102] : memref<50x4096x128xf32, #tpu.memory_space<hbm>> -> memref<1x128x128xf32, #tpu.memory_space<hbm>>
    %dma_wait3A_104 = tpu.memref_squeeze %dma_wait3A_103 : memref<1x128x128xf32, #tpu.memory_space<hbm>> -> memref<128x128xf32, #tpu.memory_space<hbm>>
    %dma_wait3A_105 = arith.constant 0 : i32
    %dma_wait3A_106 = arith.constant 0 : i32
    %dma_wait3A_107 = tpu.memref_slice %arg6[%dma_wait3A_93, %dma_wait3A_105, %dma_wait3A_106] : memref<5x128x128xf32, #tpu.memory_space<vmem>> -> memref<1x128x128xf32, #tpu.memory_space<vmem>>
    %dma_wait3A_108 = tpu.memref_squeeze %dma_wait3A_107 : memref<1x128x128xf32, #tpu.memory_space<vmem>> -> memref<128x128xf32, #tpu.memory_space<vmem>>
    tpu.wait_dma2 semaphore(%arg16 : memref<!tpu.dma_semaphore, #tpu.memory_space<semaphore_mem>>) src(%dma_wait3A_108 : memref<128x128xf32, #tpu.memory_space<vmem>>) dst(%dma_wait3A_104 : memref<128x128xf32, #tpu.memory_space<hbm>>)
    return
  }
}

</mosaic_0001>

<sc_bundles>
// kernel: kernel.3.cloned.1.call-start
scs
__scs_entry_jumppad:
0x0: {  	(pc) =	sbr.rel $0x88, $3  }
0x1: {  	(tag) =	ssettag $0x0;
	lr =	simm.s32 $0x1  }
0x2: {  	[smem:$0x3F9F] =	sst lr;
	_ =	strace $0xD0000000  }
0x3: {  	_ = 	snop  }
0x4: {  	_ = 	snop  }
0x5: {  	_ = 	snop  }
0x6: {  	_ = 	snop  }
0x7: {  	_ = 	snop  }
__scs_overlays_trampoline_lowered:
0x8: {  	[smem:$0x3FAE] =	sst s0  }
0x9: {  	[smem:$0x3FAF] =	sst s1  }
0xa: {  	[smem:$0x3FB0] =	sst s2  }
0xb: {  	[smem:$0x3FB1] =	sst s3  }
0xc: {  	[smem:$0x3FB2] =	sst s4  }
0xd: {  	[smem:$0x3FB3] =	sst s5  }
0xe: {  	[smem:$0x3FB4] =	sst s6  }
0xf: {  	[smem:$0x3FB5] =	sst s7  }
0x10: {  	[smem:$0x3FB6] =	sst s8  }
0x11: {  	[smem:$0x3FB7] =	sst s9;
	s0 =	simm.s32 @!p0 $0x0  }
0x12: {  	s1 =	sld [smem:$0x3F9D];
	s0 =	simm.s32 @p0 $0x1  }
0x13: {  	[smem:$0x3FB8] =	sst s0;
	s0 =	simm.s32 @!p1 $0x0  }
0x14: {  	s2 =	sld [smem:$0x3F9C];
	s0 =	simm.s32 @p1 $0x1  }
0x15: {  	[smem:$0x3FB9] =	sst s0;
	s0 =	simm.s32 @!p2 $0x0  }
0x16: {  	s3 =	sld [smem:$0x3FDB];
	s0 =	simm.s32 @p2 $0x1  }
0x17: {  	s4 =	simm.s32 $0x1BF5;
	[smem:$0x3FBB] =	sst s0  }
0x18: {  	s0 =	sld [smem:$0x3F9E];
	_ =	swait.ge [sflag:s4], $0x0  }
0x19: {  	s7 =	sld [smem:$0x3F9F]  }
0x1a: {  	s8 =	sadd.s32 $0xFFFFE003, lr  }
0x1b: {  	s9 =	sadd.s32 $0xFFFFFEF7, lr;
	s5 =	simm.s32 $0xFFFFFFFF;
	p2 =	slt.u32 s8, $0xFFFFF086  }
0x1c: {  	p1 =	slt.u32 s9, $0xF7A;
	s5 =	simm.s32 @!p2 $0x0  }
0x1d: {  	s5 =	simm.s32 @p1 $0x1;
	p0 =	seq.s32 s7, s2  }
0x1e: {  	s7 =	smul.u32 @!p0 $0xF7A, s2;
	p2 =	seq.s32 @!p0 s5, $0x0  }
0x1f: {  	s9 =	smul.u32 $0xF7A, s1;
	s8 =	simm.s32 @!p0 $0x1BF5;
	p2 =	por !p2, p0  }
0x20: {  	[sflag:s8] =	ssyncset.s32 @!p0 $0xFFFFF086;
	s6 =	sadd.s32 @!p0 s3, s7;
	s7 =	simm.s32 @!p0 $0x108  }
0x21: {  	s3 =	sadd.s32 s3, s9;
	s6 =	sadd.s32 @!p0 $0x88, s6;
	s7 =	simm.s32 @p2 $0x1082  }
0x22: {  	[simem:s7], [sflag:s8] =	dma.local @!p0 [hbm:s6], $0xF7A  }
0x23: {  	s9 =	sor.u32 $0xD0000000, s2;
	s6 =	simm.s32 $0x108;
	_ =	swait.ge @!p0 [sflag:s8], $0x0  }
0x24: {  	s3 =	sadd.s32 $0x88, s3;
	s6 =	simm.s32 @!p1 $0x1082;
	[sflag:s4] =	ssyncset.s32 $0xFFFFF086  }
0x25: {  	[simem:s6], [sflag:s4] =	dma.local [hbm:s3], $0xF7A  }
0x26: {  	[smem:$0x3F9F] =	sst s1;
	(tag) =	ssettag s2;
	_ =	strace s9  }
0x27: {  	s1 =	sld [smem:$0x3FAF]  }
0x28: {  	s2 =	sld [smem:$0x3FB0]  }
0x29: {  	s4 =	sld [smem:$0x3FB2]  }
0x2a: {  	p0 =	seq.s32 s5, $0x0;
	s5 =	sld [smem:$0x3FB3]  }
0x2b: {  	s6 =	sld [smem:$0x3FB4]  }
0x2c: {  	s7 =	sld [smem:$0x3FB5]  }
0x2d: {  	s3 =	simm.s32 $0x108;
	s8 =	sld [smem:$0x3FB6]  }
0x2e: {  	s3 =	simm.s32 @!p0 $0x1082;
	s9 =	sld [smem:$0x3FB7]  }
0x2f: {  	lr =	sadd.s32 s0, s3;
	s0 =	sld [smem:$0x3FAE]  }
0x30: {  	s3 =	sld [smem:$0x3FB1]  }
0x31: {  	[smem:$0x3FBA] =	sst s10  }
0x32: {  	s10 =	sld [smem:$0x3FB8];
	_ =	sdelay $0x3  }
0x33: {  	p0 =	seq.s32 s10, $0x1;
	s10 =	sld [smem:$0x3FBA];
	_ =	sdelay $0x3  }
0x34: {  	[smem:$0x3FBA] =	sst s10  }
0x35: {  	s10 =	sld [smem:$0x3FB9];
	_ =	sdelay $0x3  }
0x36: {  	p1 =	seq.s32 s10, $0x1;
	s10 =	sld [smem:$0x3FBA];
	_ =	sdelay $0x3  }
0x37: {  	[smem:$0x3FBA] =	sst s10  }
0x38: {  	s10 =	sld [smem:$0x3FBB]  }
0x39: {  	_ = 	snop;
	(pc) =	sbr.ind lr, $3  }
0x3a: {  	_ = 	snop  }
0x3b: {  	_ = 	snop  }
0x3c: {  	p2 =	seq.s32 s10, $0x1;
	s10 =	sld [smem:$0x3FBA]  }
0x3d: {  	_ =	shalt  }
0x3e: {  	_ =	shalt  }
0x3f: {  	_ =	shalt  }
0x40: {  	_ =	shalt  }
0x41: {  	_ =	shalt  }
0x42: {  	_ =	shalt  }
0x43: {  	_ =	shalt  }
0x44: {  	_ =	shalt  }
0x45: {  	_ =	shalt  }
0x46: {  	_ =	shalt  }
0x47: {  	_ =	shalt  }
0x48: {  	_ =	shalt  }
0x49: {  	_ =	shalt  }
0x4a: {  	_ =	shalt  }
0x4b: {  	_ =	shalt  }
0x4c: {  	_ =	shalt  }
0x4d: {  	_ =	shalt  }
0x4e: {  	_ =	shalt  }
0x4f: {  	_ =	shalt  }
0x50: {  	_ =	shalt  }
0x51: {  	_ =	shalt  }
0x52: {  	_ =	shalt  }
0x53: {  	_ =	shalt  }
0x54: {  	_ =	shalt  }
0x55: {  	_ =	shalt  }
0x56: {  	_ =	shalt  }
0x57: {  	_ =	shalt  }
0x58: {  	_ =	shalt  }
0x59: {  	_ =	shalt  }
0x5a: {  	_ =	shalt  }
0x5b: {  	_ =	shalt  }
0x5c: {  	_ =	shalt  }
0x5d: {  	_ =	shalt  }
0x5e: {  	_ =	shalt  }
0x5f: {  	_ =	shalt  }
0x60: {  	_ =	shalt  }
0x61: {  	_ =	shalt  }
0x62: {  	_ =	shalt  }
0x63: {  	_ =	shalt  }
0x64: {  	_ =	shalt  }
0x65: {  	_ =	shalt  }
0x66: {  	_ =	shalt  }
0x67: {  	_ =	shalt  }
0x68: {  	_ =	shalt  }
0x69: {  	_ =	shalt  }
0x6a: {  	_ =	shalt  }
0x6b: {  	_ =	shalt  }
0x6c: {  	_ =	shalt  }
0x6d: {  	_ =	shalt  }
0x6e: {  	_ =	shalt  }
0x6f: {  	_ =	shalt  }
0x70: {  	_ =	shalt  }
0x71: {  	_ =	shalt  }
0x72: {  	_ =	shalt  }
0x73: {  	_ =	shalt  }
0x74: {  	_ =	shalt  }
0x75: {  	_ =	shalt  }
0x76: {  	_ =	shalt  }
0x77: {  	_ =	shalt  }
0x78: {  	_ =	shalt  }
0x79: {  	_ =	shalt  }
0x7a: {  	_ =	shalt  }
0x7b: {  	_ =	shalt  }
0x7c: {  	_ =	shalt  }
0x7d: {  	_ =	shalt  }
0x7e: {  	_ =	shalt  }
0x7f: {  	_ =	shalt  }
0x80: {  	_ =	shalt  }
0x81: {  	_ =	shalt  }
0x82: {  	_ =	shalt  }
0x83: {  	_ =	shalt  }
0x84: {  	_ =	shalt  }
0x85: {  	_ =	shalt  }
0x86: {  	_ =	shalt  }
0x87: {  	_ =	shalt  }
.Lfunc_end0:
.L_simem_size_0:
called_computation_lowered:
.L_overlay_start_0:
0x88: {  	s2 =	sld [smem:$0x3FD9]  }
0x89: {  	s3 =	sld [smem:$0x3FFE];
	_ =	sdelay $0x1  }
0x8a: {  	s1 =	srdreg.scid  }
0x8b: {  	s0 =	sand.u32 $0x1, s1  }
0x8c: {  	s18 =	sshll.u32 s0, $0xA;
	s2 =	sadd.s32 s3, s2  }
0x8d: {  	s2 =	sadd.s32 s2, s18  }
0x8e: {  	[smem:$0x3FC6] =	sst s2  }
0x8f: {  	_ = 	snop  }
0x90: {  	s2 =	sld [smem:$0x3FC9]  }
0x91: {  	s19 =	sld [smem:$0x3FC8]  }
0x92: {  	s4 =	sld [smem:$0x3FD0];
	(tm) =	ssettm $0x1  }
0x93: {  	s5 =	sld [smem:$0x3FFB];
	_ =	sdelay $0x3  }
0x94: {  	_ =	strace s5  }
0x95: {  	s5 =	sld [smem:$0x3FFC];
	_ =	sdelay $0x3  }
0x96: {  	_ =	strace s5  }
0x97: {  	s5 =	sld [smem:$0x3FFD];
	_ =	sdelay $0x3  }
0x98: {  	_ =	strace s5  }
0x99: {  	_ =	strace $0x8FFFFFFF  }
0x9a: {  	s20 =	sld [smem:$0x3FDB];
	_ =	sdelay $0x1  }
0x9b: {  	s6 =	simm.s32 $_scs_section_size  }
0x9c: {  	s7 =	simm.s32 $_size__tile_overlayer_lowered;
	s8 =	simm.s32 $_tile_overlayer_lowered  }
0x9d: {  	s23 =	simm.s32 $0x1BFF;
	s22 =	sshll.u32 s8, $0x1;
	s5 =	sadd.s32 s6, s20  }
0x9e: {  	s9 =	simm.s32 $0x0;
	s21 =	sshll.u32 s7, $0x1;
	s7 =	sadd.s32 s22, s5  }
0x9f: {  	[timem:s9], [sflag:s23] =	dma.local [hbm:s7], s21  }
0xa0: {  	_ =	swait.ge [sflag:s23], s21  }
0xa1: {  	s6 =	ssub.s32 $0x0, s21;
	[sflag:s23] =	ssyncset.done $0x0  }
0xa2: {  	[sflag:s23] =	ssyncadd.s32 s6;
	_ =	sdelay $0x1  }
0xa3: {  	s24 =	simm.s32 $0x1B8B  }
0xa4: {  	_ =	swait.ge [sflag:s24], $0x1  }
0xa5: {  	[sflag:s24] =	ssyncset.done $0x0  }
0xa6: {  	s25 =	simm.s32 $0x1B8E;
	[sflag:s24] =	ssyncadd.s32 $0xFFFFFFFF  }
0xa7: {  	s26 =	simm.s32 $execute0_lowered;
	[smem:$0x3FD2] =	sst s25  }
0xa8: {  	s6 =	sshll.u32 s26, $0x1;
	_ =	strace $0x80000046;
	[dreg:$0x1] =	wrdreg $0xFFFFFFFF  }
0xa9: {  	s28 =	simm.s32 $_size_execute0_lowered;
	s5 =	sadd.s32 s5, s6;
	[dreg:$0x0] =	wrdreg $0x0  }
0xaa: {  	s6 =	sshll.u32 s28, $0x1;
	[dreg:$0x2] =	wrdreg s5  }
0xab: {  	[dreg:$0x3] =	wrdreg s6  }
0xac: {  	[dreg:$0x4] =	wrdreg $0xC0  }
0xad: {  	_ =	task [dreg:s9], $0x5FFFF  }
0xae: {  	[dreg:$0x1] =	wrdreg $0xFFFFFFFF  }
0xaf: {  	[dreg:$0x0] =	wrdreg $0x60  }
0xb0: {  	[dreg:$0x2] =	wrdreg s2  }
0xb1: {  	[dreg:$0x3] =	wrdreg s19  }
0xb2: {  	[dreg:$0x4] =	wrdreg s4  }
0xb3: {  	[dreg:$0x5] =	wrdreg $0x9  }
0xb4: {  	_ =	task.clear_ibuf [dreg:s9], $0x6FFFF;
	_ =	strace $0x90000046  }
0xb5: {  	s29 =	simm.s32 $0x9;
	_ =	strace $0x80000048  }
0xb6: {  	_ =	swait.ge [sflag:s29], $0x1  }
0xb7: {  	[sflag:s29] =	ssyncadd.s32 $0xFFFFFFFF  }
0xb8: {  	_ =	strace $0x90000048  }
0xb9: {  	_ =	sfence  }
0xba: {  	s30 =	sld [smem:$0x0];
	_ =	sdelay $0x2  }
0xbb: {  	s31 =	sshll.u32 s1, $0xD;
	s1 =	sshrl.u32 s1, $0x2  }
0xbc: {  	s3 =	sand.u32 $0x4000, s31;
	s1 =	sadd.s32 s1, s30  }
0xbd: {  	s0 =	sor.u32 s3, s0;
	s1 =	sshll.u32 s1, $0x11  }
0xbe: {  	s0 =	sor.u32 s1, s0  }
0xbf: {  	s0 =	sadd.s32 $0x8F2B, s0  }
0xc0: {  	[sflag:s0] =	ssyncadd.remote.s32 $0x1  }
0xc1: {  	_ =	sfence.sel $0xFFFF  }
0xc2: {  	[dreg:$0x0] =	wrdreg $0xFFFFFFFF;
	(pc) =	sbr.abs _section_cstart, $3  }
0xc3: {  	[dreg:$0x1] =	wrdreg $0xFFFFFFFF  }
0xc4: {  	_ =	task.clear_ibuf [dreg:s9], $0x2FFFF;
	_ =	strace $0x9FFFFFFF  }
0xc5: {  	(tm) =	ssettm $0x7FFFFFFF  }
tec
execute0_lowered:
.L_overlay_start_1:
0x0: {  	(tag) =	ssettag $0x1  }
0x1: {  	s0 =	rddreg [dreg:$0x0]  }
0x2: {  	s1 =	rddreg [dreg:$0x1]  }
0x3: {  	s10 =	rddreg [dreg:$0x2];
	s4 =	simm.s32 $0x0;
	s2 =	srdreg.scid  }
0x4: {  	s8 =	stileid.u32;
	s12 =	simm.s32 $0x80;
	s13 =	simm.s32 $0x1C00  }
0x5: {  	s14 =	simm.s32 $0x5C00;
	s15 =	simm.s32 $0x9C00;
	s16 =	simm.s32 $0x1  }
0x6: {  	s17 =	simm.s32 $0xDC00;
	s28 =	simm.s32 $0xA;
	s29 =	simm.s32 $0x0  }
0x7: {  	[smem:$0x7FF] =	sst s4;
	s2 =	sand.u32 $0x1, s2;
	s5 =	sshll.u32 s8, $0xF  }
0x8: {  	s18 =	sshll.u32 s8, $0x8;
	s3 =	ssub.s32 $0x2, s2;
	s6 =	sshll.u32 s2, $0xE  }
0x9: {  	_ =	strace $0x80000047;
	s2 =	sshll.u32 s2, $0x7;
	s7 =	sshrl.u32 s3, $0x1  }
0xa: {  	s5 =	sor.u32 s6, s5;
	s2 =	sor.u32 s2, s18;
	s18 =	simm.s32 $0x2  }
0xb: {  	s19 =	sor.u32 $0x80000, s5;
	s3 =	ssub.s32 s3, s7;
	s21 =	sshrl.u32 s5, $0x3  }
0xc: {  	s22 =	sor.u32 $0x200000, s5;
	s2 =	sadd.s32 s0, s2;
	[dreg:$0x5] =	wrdreg s21  }
0xd: {  	s24 =	sor.u32 $0x180000, s5;
	s20 =	sshrl.u32 s19, $0x3;
	[dreg:$0x9] =	wrdreg s2  }
0xe: {  	s26 =	sor.u32 $0x100000, s5;
	s23 =	sshrl.u32 s22, $0x3;
	[dreg:$0x4] =	wrdreg s20  }
0xf: {  	s25 =	sshrl.u32 s24, $0x3;
	s30 =	sshrl.u32 s26, $0x3;
	[dreg:$0x6] =	wrdreg s23  }
0x10: {  	s2 =	sadd.s32 $0x6000, s2;
	s31 =	smax.u32 s3, $0x1;
	[dreg:$0x7] =	wrdreg s25  }
0x11: {  	s19 =	simm.s32 $0x11C00;
	s21 =	simm.s32 $0x4;
	[dreg:$0xa] =	wrdreg s2  }
0x12: {  	s22 =	simm.s32 $0x5;
	s26 =	simm.s32 $0x9;
	[dreg:$0xb] =	wrdreg s31  }
0x13: {  	[dreg:$0x8] =	wrdreg s30;
	s20 =	simm.s32 $0x3;
	s25 =	simm.s32 $0x8  }
.LBB2_1:
0x14: {  	s0 =	rddreg [dreg:$0x9];
	s2 =	simm.s32 $0x400;
	s3 =	simm.s32 $0x8000  }
0x15: {  	[tilespmem:s4], [sflag:$0xB] =	stream.strided.gather [hbm4b:s0+s2], $0x1800, s3, s2, $0x38;
	[tilespmem:$0x15C00] =	vst v63  }
0x16: {  	s5 =	simm.s32 $0xB;
	s2 =	rddreg [dreg:$0xa];
	s3 =	simm.s32 $0x1800  }
0x17: {  	[tilespmem:s3], [sflag:$0xB] =	stream.linear.gather [hbm4b:s2+s4], $0x100, $0x38;
	[tilespmem:$0x15C00] =	vst v63  }
0x18: {  	_ =	swait.ge [sflag:s5], $0x1900  }
0x19: {  	p0 =	por $0x1, $0x1;
	[sflag:s5] =	ssyncset.done $0x0  }
0x1a: {  	p0 =	por p0, p0;
	[sflag:s5] =	ssyncadd.s32 $0xFFFFE700  }
0x1b: {  	[tilespmem:s13], [sflag:$0x1] =	stream.indirect.gather [hbm4b:s1+s12], $0x80, s4, s12, $0xb8;
	[tilespmem:$0x15C00] =	vst v63  }
0x1c: {  	s0 =	simm.s32 @!p0 $0x8  }
0x1d: {  	[tilespmem:s14], [sflag:$0x2] =	stream.indirect.gather [hbm4b:s1+s12], $0x80, s12, s12, $0xb8;
	[tilespmem:$0x15C00] =	vst v63  }
0x1e: {  	_ =	swait.ge @!p0 [sflag:s0], $0x4000  }
0x1f: {  	[sflag:s0] =	ssyncset.done @!p0 $0x0  }
0x20: {  	s6 =	simm.s32 $0x100;
	[sflag:s0] =	ssyncadd.s32 @!p0 $0xFFFFC000  }
0x21: {  	[tilespmem:s15], [sflag:$0x3] =	stream.indirect.gather [hbm4b:s1+s12], $0x80, s6, s12, $0xb8;
	[tilespmem:$0x15C00] =	vst v63  }
0x22: {  	_ =	swait.ge [sflag:s16], $0x4000  }
0x23: {  	s7 =	rddreg [dreg:$0x5];
	[sflag:s16] =	ssyncset.done $0x0  }
0x24: {  	p0 =	por $0x1, $0x1;
	[sflag:s16] =	ssyncadd.s32 $0xFFFFC000;
	s0 =	sadd.s32 s10, s7  }
0x25: {  	[hbm4b:s0+s4] =	stream.linear.scatter [tilespmem:s13], [sflag:$0x6], $0x4000, $0x38;
	[tilespmem:$0x15C00] =	vst v63  }
0x26: {  	s0 =	simm.s32 @!p0 $0x9  }
0x27: {  	_ =	swait.ge @!p0 [sflag:s0], $0x4000  }
0x28: {  	[sflag:s0] =	ssyncset.done @!p0 $0x0  }
0x29: {  	s8 =	simm.s32 $0x180;
	[sflag:s0] =	ssyncadd.s32 @!p0 $0xFFFFC000  }
0x2a: {  	[tilespmem:s17], [sflag:$0x4] =	stream.indirect.gather [hbm4b:s1+s12], $0x80, s8, s12, $0xb8;
	[tilespmem:$0x15C00] =	vst v63  }
0x2b: {  	_ =	swait.ge [sflag:s18], $0x4000  }
0x2c: {  	p0 =	por $0x1, $0x1;
	s9 =	rddreg [dreg:$0x4];
	[sflag:s18] =	ssyncset.done $0x0  }
0x2d: {  	s2 =	simm.s32 @!p0 $0xA;
	[sflag:s18] =	ssyncadd.s32 $0xFFFFC000;
	s0 =	sadd.s32 s10, s9  }
0x2e: {  	[hbm4b:s0+s4] =	stream.linear.scatter [tilespmem:s14], [sflag:$0x7], $0x4000, $0x38;
	[tilespmem:$0x15C00] =	vst v63  }
0x2f: {  	_ =	swait.ge @!p0 [sflag:s2], $0x4000  }
0x30: {  	[sflag:s2] =	ssyncset.done @!p0 $0x0  }
0x31: {  	s11 =	simm.s32 $0x200;
	[sflag:s2] =	ssyncadd.s32 @!p0 $0xFFFFC000  }
0x32: {  	[tilespmem:s19], [sflag:$0x5] =	stream.indirect.gather [hbm4b:s1+s12], $0x80, s11, s12, $0xb8;
	[tilespmem:$0x15C00] =	vst v63  }
0x33: {  	_ =	swait.ge [sflag:s20], $0x4000  }
0x34: {  	p0 =	por $0x0, $0x0;
	s23 =	rddreg [dreg:$0x8];
	[sflag:s20] =	ssyncset.done $0x0  }
0x35: {  	s2 =	simm.s32 @!p0 $0x6;
	[sflag:s20] =	ssyncadd.s32 $0xFFFFC000;
	s0 =	sadd.s32 s10, s23  }
0x36: {  	[hbm4b:s0+s4] =	stream.linear.scatter [tilespmem:s15], [sflag:$0x8], $0x4000, $0x38;
	[tilespmem:$0x15C00] =	vst v63  }
0x37: {  	_ =	swait.ge @!p0 [sflag:s2], $0x4000  }
0x38: {  	s6 =	simm.s32 @!p0 $0x80;
	[sflag:s2] =	ssyncset.done @!p0 $0x0  }
0x39: {  	s3 =	simm.s32 @!p0 $0x1C00;
	s0 =	simm.s32 @!p0 $0x280;
	[sflag:s2] =	ssyncadd.s32 @!p0 $0xFFFFC000  }
0x3a: {  	[tilespmem:s3], [sflag:$0x1] =	stream.indirect.gather @!p0 [hbm4b:s1+s6], $0x80, s0, s6, $0xb8;
	[tilespmem:$0x15C00] =	vst v63  }
0x3b: {  	_ =	swait.ge [sflag:s21], $0x4000  }
0x3c: {  	s24 =	rddreg [dreg:$0x7];
	[sflag:s21] =	ssyncset.done $0x0  }
0x3d: {  	s2 =	simm.s32 @!p0 $0x7;
	[sflag:s21] =	ssyncadd.s32 $0xFFFFC000;
	s0 =	sadd.s32 s10, s24  }
0x3e: {  	[hbm4b:s0+s4] =	stream.linear.scatter [tilespmem:s17], [sflag:$0x9], $0x4000, $0x38;
	[tilespmem:$0x15C00] =	vst v63  }
0x3f: {  	s31 =	simm.s32 $0xA00;
	p1 =	por $0x0, $0x0;
	_ =	swait.ge @!p0 [sflag:s2], $0x4000  }
0x40: {  	s30 =	sadd.s32 $0x50000, s10;
	s9 =	simm.s32 $0x1400;
	[sflag:s2] =	ssyncset.done @!p0 $0x0  }
0x41: {  	s8 =	simm.s32 @!p0 $0x5C00;
	s0 =	simm.s32 @!p0 $0x300;
	[sflag:s2] =	ssyncadd.s32 @!p0 $0xFFFFC000  }
0x42: {  	[tilespmem:s8], [sflag:$0x2] =	stream.indirect.gather @!p0 [hbm4b:s1+s6], $0x80, s0, s6, $0xb8;
	[tilespmem:$0x15C00] =	vst v63  }
0x43: {  	s3 =	simm.s32 $0x2;
	s2 =	smov.u32 s10;
	_ =	swait.ge [sflag:s22], $0x4000  }
0x44: {  	s0 =	simm.s32 $0x4;
	p0 =	por p1, p1;
	[sflag:s22] =	ssyncset.done $0x0  }
0x45: {  	s8 =	simm.s32 $0x2;
	s6 =	rddreg [dreg:$0x6];
	[sflag:s22] =	ssyncadd.s32 $0xFFFFC000  }
.LBB2_2:
0x46: {  	s7 =	simm.s32 @!p0 $0x8;
	s5 =	sadd.s32 s2, s6  }
0x47: {  	[hbm4b:s5+s4] =	stream.linear.scatter [tilespmem:s19], [sflag:$0xA], $0x4000, $0x38;
	[tilespmem:$0x15C00] =	vst v63  }
0x48: {  	_ =	swait.ge @!p0 [sflag:s7], $0x4000  }
0x49: {  	s3 =	sadd.s32 $0x5, s3;
	s11 =	sshra.s32 s31, $0x2;
	[sflag:s7] =	ssyncset.done @!p0 $0x0  }
0x4a: {  	p2 =	sgt.u32 s3, $0x2C;
	s23 =	sadd.s32 $0x100, s11;
	[sflag:s7] =	ssyncadd.s32 @!p0 $0xFFFFC000  }
0x4b: {  	[tilespmem:s15], [sflag:$0x3] =	stream.indirect.gather [hbm4b:s1+s12], $0x80, s23, s12, $0xb8;
	[tilespmem:$0x15C00] =	vst v63  }
0x4c: {  	p0 =	por p2, p2;
	_ =	swait.ge [sflag:s16], $0x4000  }
0x4d: {  	s23 =	sadd.s32 $0x1, s8;
	s24 =	rddreg [dreg:$0x5];
	[sflag:s16] =	ssyncset.done $0x0  }
0x4e: {  	p2 =	sgt.u32 s23, $0x2C;
	[sflag:s16] =	ssyncadd.s32 $0xFFFFC000;
	s7 =	sadd.s32 s30, s24  }
0x4f: {  	[hbm4b:s7+s4] =	stream.linear.scatter [tilespmem:s13], [sflag:$0x6], $0x4000, $0x38;
	[tilespmem:$0x15C00] =	vst v63  }
0x50: {  	s7 =	simm.s32 @!p2 $0x9  }
0x51: {  	_ =	swait.ge @!p2 [sflag:s7], $0x4000  }
0x52: {  	[sflag:s7] =	ssyncset.done @!p2 $0x0  }
0x53: {  	s24 =	sadd.s32 $0x180, s11;
	[sflag:s7] =	ssyncadd.s32 @!p2 $0xFFFFC000  }
0x54: {  	[tilespmem:s17], [sflag:$0x4] =	stream.indirect.gather [hbm4b:s1+s12], $0x80, s24, s12, $0xb8;
	[tilespmem:$0x15C00] =	vst v63  }
0x55: {  	_ =	swait.ge [sflag:s18], $0x4000  }
0x56: {  	p2 =	sgt.u32 s0, $0x2C;
	s23 =	rddreg [dreg:$0x4];
	[sflag:s18] =	ssyncset.done $0x0  }
0x57: {  	s7 =	simm.s32 @!p2 $0xA;
	[sflag:s18] =	ssyncadd.s32 $0xFFFFC000;
	s24 =	sadd.s32 s30, s23  }
0x58: {  	[hbm4b:s24+s4] =	stream.linear.scatter [tilespmem:s14], [sflag:$0x7], $0x4000, $0x38;
	[tilespmem:$0x15C00] =	vst v63  }
0x59: {  	_ =	swait.ge @!p2 [sflag:s7], $0x4000  }
0x5a: {  	[sflag:s7] =	ssyncset.done @!p2 $0x0  }
0x5b: {  	s5 =	sadd.s32 $0x2, s3;
	s11 =	sadd.s32 $0x200, s11;
	[sflag:s7] =	ssyncadd.s32 @!p2 $0xFFFFC000  }
0x5c: {  	[tilespmem:s19], [sflag:$0x5] =	stream.indirect.gather [hbm4b:s1+s12], $0x80, s11, s12, $0xb8;
	[tilespmem:$0x15C00] =	vst v63  }
0x5d: {  	s0 =	smov.u32 s5;
	_ =	swait.ge [sflag:s20], $0x4000  }
0x5e: {  	p2 =	seq.s32 s31, $0x5A00;
	s23 =	rddreg [dreg:$0x8];
	[sflag:s20] =	ssyncset.done $0x0  }
0x5f: {  	s7 =	simm.s32 @!p2 $0x6;
	[sflag:s20] =	ssyncadd.s32 $0xFFFFC000;
	s5 =	sadd.s32 s30, s23  }
0x60: {  	[hbm4b:s5+s4] =	stream.linear.scatter [tilespmem:s15], [sflag:$0x8], $0x4000, $0x38;
	[tilespmem:$0x15C00] =	vst v63  }
0x61: {  	_ =	swait.ge @!p2 [sflag:s7], $0x4000  }
0x62: {  	s11 =	sshra.s32 @!p2 s31, $0x2;
	s24 =	simm.s32 @!p2 $0x1C00;
	[sflag:s7] =	ssyncset.done @!p2 $0x0  }
0x63: {  	s23 =	simm.s32 @!p2 $0x80;
	s5 =	sadd.s32 @!p2 $0x280, s11;
	[sflag:s7] =	ssyncadd.s32 @!p2 $0xFFFFC000  }
0x64: {  	[tilespmem:s24], [sflag:$0x1] =	stream.indirect.gather @!p2 [hbm4b:s1+s23], $0x80, s5, s23, $0xb8;
	[tilespmem:$0x15C00] =	vst v63  }
0x65: {  	s6 =	smov.u32 s9;
	_ =	swait.ge [sflag:s21], $0x4000  }
0x66: {  	s31 =	smov.u32 s6;
	s24 =	rddreg [dreg:$0x7];
	[sflag:s21] =	ssyncset.done $0x0  }
0x67: {  	s6 =	simm.s32 @!p2 $0x7;
	[sflag:s21] =	ssyncadd.s32 $0xFFFFC000;
	s5 =	sadd.s32 s30, s24  }
0x68: {  	[hbm4b:s5+s4] =	stream.linear.scatter [tilespmem:s17], [sflag:$0x9], $0x4000, $0x38;
	[tilespmem:$0x15C00] =	vst v63  }
0x69: {  	s9 =	sadd.s32 $0xA00, s9;
	_ =	swait.ge @!p2 [sflag:s6], $0x4000  }
0x6a: {  	p1 =	sne.s32 s9, $0x6400;
	s11 =	sadd.s32 @!p2 $0x300, s11;
	[sflag:s6] =	ssyncset.done @!p2 $0x0  }
.Ltmp0:
0x6b: {  	s5 =	simm.s32 @!p2 $0x5C00;
	[sflag:s6] =	ssyncadd.s32 @!p2 $0xFFFFC000;
	(pc) =	sbr.rel @p1 .LBB2_2-.Ltmp0, $4  }
0x6c: {  	[tilespmem:s5], [sflag:$0x2] =	stream.indirect.gather @!p2 [hbm4b:s1+s23], $0x80, s11, s23, $0xb8;
	[tilespmem:$0x15C00] =	vst v63  }
0x6d: {  	_ =	swait.ge [sflag:s22], $0x4000  }
0x6e: {  	s2 =	smov.u32 s30;
	s8 =	smov.u32 s3;
	[sflag:s22] =	ssyncset.done $0x0  }
0x6f: {  	s30 =	sadd.s32 $0x50000, s30;
	s6 =	rddreg [dreg:$0x6];
	[sflag:s22] =	ssyncadd.s32 $0xFFFFC000  }
0x70: {  	s2 =	sadd.s32 s2, s6;
	s3 =	simm.s32 @!p0 $0x8  }
0x71: {  	[hbm4b:s2+s4] =	stream.linear.scatter [tilespmem:s19], [sflag:$0xA], $0x4000, $0x38;
	[tilespmem:$0x15C00] =	vst v63  }
0x72: {  	_ =	swait.ge @!p0 [sflag:s3], $0x4000  }
0x73: {  	s11 =	sshra.s32 s31, $0x2;
	[sflag:s3] =	ssyncset.done @!p0 $0x0  }
0x74: {  	s23 =	sadd.s32 $0x100, s11;
	[sflag:s3] =	ssyncadd.s32 @!p0 $0xFFFFC000  }
0x75: {  	[tilespmem:s15], [sflag:$0x3] =	stream.indirect.gather [hbm4b:s1+s12], $0x80, s23, s12, $0xb8;
	[tilespmem:$0x15C00] =	vst v63  }
0x76: {  	_ =	swait.ge [sflag:s16], $0x4000  }
0x77: {  	s5 =	sadd.s32 $0x1, s8;
	s24 =	rddreg [dreg:$0x5];
	[sflag:s16] =	ssyncset.done $0x0  }
0x78: {  	p0 =	sgt.u32 s5, $0x2C;
	[sflag:s16] =	ssyncadd.s32 $0xFFFFC000;
	s3 =	sadd.s32 s30, s24  }
0x79: {  	[hbm4b:s3+s4] =	stream.linear.scatter [tilespmem:s13], [sflag:$0x6], $0x4000, $0x38;
	[tilespmem:$0x15C00] =	vst v63  }
0x7a: {  	s3 =	simm.s32 @!p0 $0x9  }
0x7b: {  	_ =	swait.ge @!p0 [sflag:s3], $0x4000  }
0x7c: {  	[sflag:s3] =	ssyncset.done @!p0 $0x0  }
0x7d: {  	s5 =	sadd.s32 $0x180, s11;
	[sflag:s3] =	ssyncadd.s32 @!p0 $0xFFFFC000  }
0x7e: {  	[tilespmem:s17], [sflag:$0x4] =	stream.indirect.gather [hbm4b:s1+s12], $0x80, s5, s12, $0xb8;
	[tilespmem:$0x15C00] =	vst v63  }
0x7f: {  	_ =	swait.ge [sflag:s18], $0x4000  }
0x80: {  	p0 =	sgt.u32 s0, $0x2C;
	s6 =	rddreg [dreg:$0x4];
	[sflag:s18] =	ssyncset.done $0x0  }
0x81: {  	s3 =	simm.s32 @!p0 $0xA;
	[sflag:s18] =	ssyncadd.s32 $0xFFFFC000;
	s7 =	sadd.s32 s30, s6  }
0x82: {  	[hbm4b:s7+s4] =	stream.linear.scatter [tilespmem:s14], [sflag:$0x7], $0x4000, $0x38;
	[tilespmem:$0x15C00] =	vst v63  }
0x83: {  	_ =	swait.ge @!p0 [sflag:s3], $0x4000  }
0x84: {  	[sflag:s3] =	ssyncset.done @!p0 $0x0  }
0x85: {  	s8 =	sadd.s32 $0x200, s11;
	[sflag:s3] =	ssyncadd.s32 @!p0 $0xFFFFC000  }
0x86: {  	[tilespmem:s19], [sflag:$0x5] =	stream.indirect.gather [hbm4b:s1+s12], $0x80, s8, s12, $0xb8;
	[tilespmem:$0x15C00] =	vst v63  }
0x87: {  	_ =	swait.ge [sflag:s20], $0x4000  }
0x88: {  	p0 =	seq.s32 s31, $0x5A00;
	s9 =	rddreg [dreg:$0x8];
	[sflag:s20] =	ssyncset.done $0x0  }
0x89: {  	s2 =	simm.s32 @!p0 $0x6;
	[sflag:s20] =	ssyncadd.s32 $0xFFFFC000;
	s0 =	sadd.s32 s30, s9  }
0x8a: {  	[hbm4b:s0+s4] =	stream.linear.scatter [tilespmem:s15], [sflag:$0x8], $0x4000, $0x38;
	[tilespmem:$0x15C00] =	vst v63  }
0x8b: {  	_ =	swait.ge @!p0 [sflag:s2], $0x4000  }
0x8c: {  	s5 =	simm.s32 @!p0 $0x80;
	s0 =	sshra.s32 @!p0 s31, $0x2;
	[sflag:s2] =	ssyncset.done @!p0 $0x0  }
0x8d: {  	s3 =	sadd.s32 @!p0 $0x280, s0;
	[sflag:s2] =	ssyncadd.s32 @!p0 $0xFFFFC000;
	s2 =	simm.s32 @!p0 $0x1C00  }
0x8e: {  	[tilespmem:s2], [sflag:$0x1] =	stream.indirect.gather @!p0 [hbm4b:s1+s5], $0x80, s3, s5, $0xb8;
	[tilespmem:$0x15C00] =	vst v63  }
0x8f: {  	_ =	swait.ge [sflag:s21], $0x4000  }
0x90: {  	s11 =	rddreg [dreg:$0x7];
	[sflag:s21] =	ssyncset.done $0x0  }
0x91: {  	[sflag:s21] =	ssyncadd.s32 $0xFFFFC000;
	s2 =	sadd.s32 s30, s11  }
0x92: {  	[hbm4b:s2+s4] =	stream.linear.scatter [tilespmem:s17], [sflag:$0x9], $0x4000, $0x38;
	[tilespmem:$0x15C00] =	vst v63  }
0x93: {  	s2 =	simm.s32 @!p0 $0x7  }
0x94: {  	_ =	swait.ge @!p0 [sflag:s2], $0x4000  }
0x95: {  	[sflag:s2] =	ssyncset.done @!p0 $0x0  }
0x96: {  	s0 =	sadd.s32 @!p0 $0x300, s0;
	[sflag:s2] =	ssyncadd.s32 @!p0 $0xFFFFC000;
	s2 =	simm.s32 @!p0 $0x5C00  }
0x97: {  	[tilespmem:s2], [sflag:$0x2] =	stream.indirect.gather @!p0 [hbm4b:s1+s5], $0x80, s0, s5, $0xb8;
	[tilespmem:$0x15C00] =	vst v63  }
0x98: {  	_ =	swait.ge [sflag:s22], $0x4000  }
0x99: {  	s23 =	rddreg [dreg:$0x6];
	[sflag:s22] =	ssyncset.done $0x0  }
0x9a: {  	s24 =	simm.s32 $0x6;
	s0 =	sadd.s32 s30, s23;
	[sflag:s22] =	ssyncadd.s32 $0xFFFFC000  }
0x9b: {  	[hbm4b:s0+s4] =	stream.linear.scatter [tilespmem:s19], [sflag:$0xA], $0x4000, $0x38;
	[tilespmem:$0x15C00] =	vst v63  }
0x9c: {  	_ =	swait.ge [sflag:s24], $0x4000  }
0x9d: {  	[sflag:s24] =	ssyncset.done $0x0  }
0x9e: {  	s30 =	simm.s32 $0x7;
	[sflag:s24] =	ssyncadd.s32 $0xFFFFC000  }
0x9f: {  	_ =	swait.ge [sflag:s30], $0x4000  }
0xa0: {  	[sflag:s30] =	ssyncset.done $0x0  }
0xa1: {  	[sflag:s30] =	ssyncadd.s32 $0xFFFFC000  }
0xa2: {  	_ =	swait.ge [sflag:s25], $0x4000  }
0xa3: {  	[sflag:s25] =	ssyncset.done $0x0  }
0xa4: {  	[sflag:s25] =	ssyncadd.s32 $0xFFFFC000  }
0xa5: {  	_ =	swait.ge [sflag:s26], $0x4000  }
0xa6: {  	[sflag:s26] =	ssyncset.done $0x0  }
0xa7: {  	[sflag:s26] =	ssyncadd.s32 $0xFFFFC000  }
0xa8: {  	_ =	swait.ge [sflag:s28], $0x4000  }
0xa9: {  	s29 =	sadd.s32 $0x1, s29;
	s31 =	rddreg [dreg:$0xb]  }
0xaa: {  	p0 =	sne.s32 s29, s31  }
.Ltmp1:
0xab: {  	_ = 	snop;
	(pc) =	sbr.rel @p0 .LBB2_1-.Ltmp1, $3  }
0xac: {  	_ =	sdelay $0x1  }
0xad: {  	[sflag:s28] =	ssyncset.done $0x0  }
0xae: {  	[sflag:s28] =	ssyncadd.s32 $0xFFFFC000  }
0xaf: {  	_ =	sfence.sel $0x180000  }
0xb0: {  	[bflag:$0x0] =	sbarrier.arrive $0xFFFF  }
0xb1: {  	_ =	strace $0x90000047  }
0xb2: {  	s0 =	stileid.u32;
	[bflag:$0x2] =	sbarrier.arrive $0xFFFF  }
0xb3: {  	p0 =	sne.s32 s0, $0x0;
	s0 =	rddreg [dreg:$0x3]  }
0xb4: {  	s0 =	sadd.s32 @!p0 $0x100000, s0  }
0xb5: {  	[sflag:s0] =	ssyncadd.tile.s32 @!p0 $0x1;
	_ =	shalt  }
.Lfunc_end2:
_tile_overlayer_lowered:
.L_overlay_start_2:
0xb6: {  	(tag) =	ssettag $0x2  }
0xb7: {  	s0 =	rddreg [dreg:$0x0];
	s2 =	stileid.u32  }
0xb8: {  	s1 =	rddreg [dreg:$0x1];
	p0 =	sne.s32 s2, $0x0  }
0xb9: {  	s3 =	rddreg [dreg:$0x2];
	[bflag:$0x3] =	sbarrier.arrive $0xFFFF;
	s2 =	simm.s32 @!p0 $0x1C0B  }
0xba: {  	[timem:s3], [sflag:s2] =	dma.local @!p0 [hbm:s0], s1  }
0xbb: {  	s0 =	simm.s32 @!p0 $0xB  }
0xbc: {  	_ =	swait.ge @!p0 [sflag:s0], s1  }
0xbd: {  	s1 =	ssub.s32 @!p0 $0x0, s1;
	[sflag:s0] =	ssyncset.done @!p0 $0x0  }
0xbe: {  	[sflag:s0] =	ssyncadd.s32 @!p0 s1  }
0xbf: {  	[bflag:$0x3] =	sbarrier.arrive $0xFFFF  }
0xc0: {  	_ =	shalt  }

</sc_bundles>
